<compile_context>
chip_gen: v7x
topology: tpu7x:2x2x1
jax: 0.10.2.dev20260603
libtpu: 0.0.44.dev20260713+nightly
codegen_flags: <defaults>
</compile_context>

<pallas_src>
import functools

import jax
import jax.numpy as jnp
from jax import lax
from jax.experimental import pallas as pl
from jax.experimental.pallas import tpu as pltpu
from jax.experimental.pallas import tpu_sc as plsc

EMB = 64
GB = 4


@functools.lru_cache(maxsize=None)
def _make_kernel(batch, seq, nc, ns):
    nw = nc * ns
    assert batch % nw == 0 and seq == 200
    bw = batch // nw
    b_per_w = bw * seq
    ng = bw // GB
    assert bw % GB == 0 and ng % 2 == 0
    row_chunks = [(0, 128), (128, 72)]
    mesh = plsc.VectorSubcoreMesh(core_axis_name="c", subcore_axis_name="s")

    @functools.partial(
        pl.kernel,
        mesh=mesh,
        compiler_params=pltpu.CompilerParams(use_tc_tiling_on_sc=False),
        out_type=jax.ShapeDtypeStruct((batch, seq, EMB), jnp.float32),
        scratch_types=[
            pltpu.VMEM((b_per_w,), jnp.int32),
            pltpu.VMEM((GB, seq, EMB), jnp.float32),
            pltpu.VMEM((GB, seq, EMB), jnp.float32),
            pltpu.SemaphoreType.DMA,
            pltpu.SemaphoreType.DMA,
        ],
    )
    def emb_kernel(table_hbm, idx_hbm, out_hbm, idx_v, buf_a, buf_b, sem_a, sem_b):
        wid = lax.axis_index("s") * nc + lax.axis_index("c")
        pltpu.sync_copy(idx_hbm.at[pl.ds(wid * b_per_w, b_per_w)], idx_v)

        def fire(g, buf, sem):
            for r in range(GB):
                for (off, n) in row_chunks:
                    pltpu.async_copy(
                        table_hbm.at[
                            idx_v.at[pl.ds(g * (GB * seq) + r * seq + off, n)]
                        ],
                        buf.at[r, pl.ds(off, n)],
                        sem,
                    )

        def drain(buf, sem):
            pltpu.make_async_copy(out_hbm.at[pl.ds(0, GB)], buf, sem).wait()

        def store(g, buf):
            pltpu.sync_copy(buf, out_hbm.at[pl.ds(wid * bw + g * GB, GB)])

        fire(0, buf_a, sem_a)

        def body(i, carry):
            g0 = 2 * i
            g1 = g0 + 1
            fire(g1, buf_b, sem_b)
            drain(buf_a, sem_a)
            store(g0, buf_a)
            fire(jnp.minimum(g0 + 2, ng - 1), buf_a, sem_a)
            drain(buf_b, sem_b)
            store(g1, buf_b)
            return carry

        lax.fori_loop(0, ng // 2, body, 0)
        drain(buf_a, sem_a)

    return emb_kernel


def kernel(glove_weight, word_indices):
    batch, seq = word_indices.shape
    info = plsc.get_sparse_core_info()
    nc, ns = info.num_cores, info.num_subcores
    return _make_kernel(batch, seq, nc, ns)(
        glove_weight, word_indices.reshape(batch * seq)
    )

# --- scband reference (transcript-rebuilt; emitter-appended) ---
"""Pipeline reference for scband-embedding-28681791603473 (READ-ONLY COPY).

The authoritative reference and input builder live on the scoring server;
editing this copy changes nothing except your own understanding.
"""

import jax, jax.numpy as jnp
import numpy as np

VOCAB = 1000000
EMB = 64
BATCH = 4096
SEQ = 200

def setup_inputs(seed: int = 0) -> dict:
    key = jax.random.key(seed)
    k1, k2 = jax.random.split(key)
    word_indices = jax.random.randint(k1, (BATCH, SEQ), 0, VOCAB, dtype=jnp.int32)
    glove_weight = jax.random.normal(k2, (VOCAB, EMB), dtype=jnp.float32) * 0.02
    return {"glove_weight": glove_weight, "word_indices": word_indices}

def reference(glove_weight, word_indices):
    # Faithful embedding lookup: gather rows of the GloVe table by word id.
    out = jnp.take(glove_weight, word_indices, axis=0)  # [B, S, EMB]
    return out

if __name__ == "__main__":
    import jax
    _d = setup_inputs()
    print(jax.jit(kernel)(*tuple(_d.values())))

</pallas_src>

<mosaic_0001>
#map = affine_map<(d0, d1) -> (0, 0)>
#map1 = affine_map<(d0, d1) -> (0)>
#map2 = affine_map<(d0, d1) -> (0, 0, 0)>
module attributes {stable_mosaic.version = 14 : i64} {
  func.func @emb_kernel(%arg0: i32, %arg1: i32, %arg2: memref<1000000x64xf32, #tpu.memory_space<hbm>>, %arg3: memref<819200xi32, #tpu.memory_space<hbm>>, %arg4: memref<4096x200x64xf32, #tpu.memory_space<hbm>>, %arg5: memref<25600xi32, #tpu.memory_space<vmem>>, %arg6: memref<4x200x64xf32, #tpu.memory_space<vmem>>, %arg7: memref<4x200x64xf32, #tpu.memory_space<vmem>>, %arg8: memref<!tpu.dma_semaphore, #tpu.memory_space<semaphore_mem>>, %arg9: memref<!tpu.dma_semaphore, #tpu.memory_space<semaphore_mem>>) attributes {dimension_semantics = [#tpu.dimension_semantics<core_parallel>, #tpu.dimension_semantics<subcore_parallel>], iteration_bounds = array<i64: 2, 16>, scalar_prefetch = 0 : i64, scratch_operands = 5 : i64, tpu.core_type = #tpu.core_type<sc_vector_subcore>, window_params = [{transform_indices = #map}, {transform_indices = #map1}, {transform_indices = #map2}]} {
    %mul3A = arith.constant 2 : i32
    %mul3A_0 = arith.muli %arg1, %mul3A : i32
    %add3A = arith.addi %mul3A_0, %arg0 : i32
    %mul3A_1 = arith.constant 25600 : i32
    %mul3A_2 = arith.muli %add3A, %mul3A_1 : i32
    "tpu.region"() ({
      %run_scoped3A = tpu.sem_alloc : memref<!tpu.dma_semaphore, #tpu.memory_space<semaphore_mem>>
      %dma_start3A_94 = tpu.memref_slice %arg3[%mul3A_2] : memref<819200xi32, #tpu.memory_space<hbm>> -> memref<25600xi32, #tpu.memory_space<hbm>>
      %dma_start3A_95 = tpu.memref_slice %arg3[%mul3A_2] : memref<819200xi32, #tpu.memory_space<hbm>> -> memref<25600xi32, #tpu.memory_space<hbm>>
      tpu.enqueue_dma source(%dma_start3A_95 : memref<25600xi32, #tpu.memory_space<hbm>>) target(%arg5 : memref<25600xi32, #tpu.memory_space<vmem>>) target_semaphore(%run_scoped3A : memref<!tpu.dma_semaphore, #tpu.memory_space<semaphore_mem>>)
      %dma_wait3A_96 = tpu.memref_slice %arg3[%mul3A_2] : memref<819200xi32, #tpu.memory_space<hbm>> -> memref<25600xi32, #tpu.memory_space<hbm>>
      %dma_wait3A_97 = tpu.memref_slice %arg3[%mul3A_2] : memref<819200xi32, #tpu.memory_space<hbm>> -> memref<25600xi32, #tpu.memory_space<hbm>>
      tpu.wait_dma2 semaphore(%run_scoped3A : memref<!tpu.dma_semaphore, #tpu.memory_space<semaphore_mem>>) src(%dma_wait3A_97 : memref<25600xi32, #tpu.memory_space<hbm>>) dst(%arg5 : memref<25600xi32, #tpu.memory_space<vmem>>)
      tpu.yield
    }) : () -> ()
    %dma_start3A = arith.constant 0 : i32
    %dma_start3A_3 = arith.constant 0 : i32
    %dma_start3A_4 = arith.constant 0 : i32
    %dma_start3A_5 = tpu.memref_slice %arg6[%dma_start3A, %dma_start3A_3, %dma_start3A_4] : memref<4x200x64xf32, #tpu.memory_space<vmem>> -> memref<1x128x64xf32, #tpu.memory_space<vmem>>
    %dma_start3A_6 = tpu.memref_squeeze %dma_start3A_5 : memref<1x128x64xf32, #tpu.memory_space<vmem>> -> memref<128x64xf32, #tpu.memory_space<vmem>>
    %dma_start3A_7 = arith.constant 0 : i32
    %dma_start3A_8 = tpu.memref_slice %arg5[%dma_start3A_7] : memref<25600xi32, #tpu.memory_space<vmem>> -> memref<128xi32, #tpu.memory_space<vmem>>
    %dma_start3A_9 = arith.constant 0 : i32
    %dma_start3A_10 = arith.constant 0 : i32
    %dma_start3A_11 = tpu.memref_slice %arg2[%dma_start3A_9, %dma_start3A_10] : memref<1000000x64xf32, #tpu.memory_space<hbm>> -> memref<1000000x64xf32, #tpu.memory_space<hbm>>
    tpu.enqueue_indirect_dma source(%dma_start3A_11 : memref<1000000x64xf32, #tpu.memory_space<hbm>>) target(%dma_start3A_6 : memref<128x64xf32, #tpu.memory_space<vmem>>) offsets(%dma_start3A_8 : memref<128xi32, #tpu.memory_space<vmem>>) semaphore(%arg8 : memref<!tpu.dma_semaphore, #tpu.memory_space<semaphore_mem>>)
    %dma_start3A_12 = arith.constant 0 : i32
    %dma_start3A_13 = arith.constant 128 : i32
    %dma_start3A_14 = arith.constant 0 : i32
    %dma_start3A_15 = tpu.memref_slice %arg6[%dma_start3A_12, %dma_start3A_13, %dma_start3A_14] : memref<4x200x64xf32, #tpu.memory_space<vmem>> -> memref<1x72x64xf32, #tpu.memory_space<vmem>>
    %dma_start3A_16 = tpu.memref_squeeze %dma_start3A_15 : memref<1x72x64xf32, #tpu.memory_space<vmem>> -> memref<72x64xf32, #tpu.memory_space<vmem>>
    %dma_start3A_17 = arith.constant 128 : i32
    %dma_start3A_18 = tpu.memref_slice %arg5[%dma_start3A_17] : memref<25600xi32, #tpu.memory_space<vmem>> -> memref<72xi32, #tpu.memory_space<vmem>>
    %dma_start3A_19 = arith.constant 0 : i32
    %dma_start3A_20 = arith.constant 0 : i32
    %dma_start3A_21 = tpu.memref_slice %arg2[%dma_start3A_19, %dma_start3A_20] : memref<1000000x64xf32, #tpu.memory_space<hbm>> -> memref<1000000x64xf32, #tpu.memory_space<hbm>>
    tpu.enqueue_indirect_dma source(%dma_start3A_21 : memref<1000000x64xf32, #tpu.memory_space<hbm>>) target(%dma_start3A_16 : memref<72x64xf32, #tpu.memory_space<vmem>>) offsets(%dma_start3A_18 : memref<72xi32, #tpu.memory_space<vmem>>) semaphore(%arg8 : memref<!tpu.dma_semaphore, #tpu.memory_space<semaphore_mem>>)
    %dma_start3A_22 = arith.constant 1 : i32
    %dma_start3A_23 = arith.constant 0 : i32
    %dma_start3A_24 = arith.constant 0 : i32
    %dma_start3A_25 = tpu.memref_slice %arg6[%dma_start3A_22, %dma_start3A_23, %dma_start3A_24] : memref<4x200x64xf32, #tpu.memory_space<vmem>> -> memref<1x128x64xf32, #tpu.memory_space<vmem>>
    %dma_start3A_26 = tpu.memref_squeeze %dma_start3A_25 : memref<1x128x64xf32, #tpu.memory_space<vmem>> -> memref<128x64xf32, #tpu.memory_space<vmem>>
    %dma_start3A_27 = arith.constant 200 : i32
    %dma_start3A_28 = tpu.memref_slice %arg5[%dma_start3A_27] : memref<25600xi32, #tpu.memory_space<vmem>> -> memref<128xi32, #tpu.memory_space<vmem>>
    %dma_start3A_29 = arith.constant 0 : i32
    %dma_start3A_30 = arith.constant 0 : i32
    %dma_start3A_31 = tpu.memref_slice %arg2[%dma_start3A_29, %dma_start3A_30] : memref<1000000x64xf32, #tpu.memory_space<hbm>> -> memref<1000000x64xf32, #tpu.memory_space<hbm>>
    tpu.enqueue_indirect_dma source(%dma_start3A_31 : memref<1000000x64xf32, #tpu.memory_space<hbm>>) target(%dma_start3A_26 : memref<128x64xf32, #tpu.memory_space<vmem>>) offsets(%dma_start3A_28 : memref<128xi32, #tpu.memory_space<vmem>>) semaphore(%arg8 : memref<!tpu.dma_semaphore, #tpu.memory_space<semaphore_mem>>)
    %dma_start3A_32 = arith.constant 1 : i32
    %dma_start3A_33 = arith.constant 128 : i32
    %dma_start3A_34 = arith.constant 0 : i32
    %dma_start3A_35 = tpu.memref_slice %arg6[%dma_start3A_32, %dma_start3A_33, %dma_start3A_34] : memref<4x200x64xf32, #tpu.memory_space<vmem>> -> memref<1x72x64xf32, #tpu.memory_space<vmem>>
    %dma_start3A_36 = tpu.memref_squeeze %dma_start3A_35 : memref<1x72x64xf32, #tpu.memory_space<vmem>> -> memref<72x64xf32, #tpu.memory_space<vmem>>
    %dma_start3A_37 = arith.constant 328 : i32
    %dma_start3A_38 = tpu.memref_slice %arg5[%dma_start3A_37] : memref<25600xi32, #tpu.memory_space<vmem>> -> memref<72xi32, #tpu.memory_space<vmem>>
    %dma_start3A_39 = arith.constant 0 : i32
    %dma_start3A_40 = arith.constant 0 : i32
    %dma_start3A_41 = tpu.memref_slice %arg2[%dma_start3A_39, %dma_start3A_40] : memref<1000000x64xf32, #tpu.memory_space<hbm>> -> memref<1000000x64xf32, #tpu.memory_space<hbm>>
    tpu.enqueue_indirect_dma source(%dma_start3A_41 : memref<1000000x64xf32, #tpu.memory_space<hbm>>) target(%dma_start3A_36 : memref<72x64xf32, #tpu.memory_space<vmem>>) offsets(%dma_start3A_38 : memref<72xi32, #tpu.memory_space<vmem>>) semaphore(%arg8 : memref<!tpu.dma_semaphore, #tpu.memory_space<semaphore_mem>>)
    %dma_start3A_42 = arith.constant 2 : i32
    %dma_start3A_43 = arith.constant 0 : i32
    %dma_start3A_44 = arith.constant 0 : i32
    %dma_start3A_45 = tpu.memref_slice %arg6[%dma_start3A_42, %dma_start3A_43, %dma_start3A_44] : memref<4x200x64xf32, #tpu.memory_space<vmem>> -> memref<1x128x64xf32, #tpu.memory_space<vmem>>
    %dma_start3A_46 = tpu.memref_squeeze %dma_start3A_45 : memref<1x128x64xf32, #tpu.memory_space<vmem>> -> memref<128x64xf32, #tpu.memory_space<vmem>>
    %dma_start3A_47 = arith.constant 400 : i32
    %dma_start3A_48 = tpu.memref_slice %arg5[%dma_start3A_47] : memref<25600xi32, #tpu.memory_space<vmem>> -> memref<128xi32, #tpu.memory_space<vmem>>
    %dma_start3A_49 = arith.constant 0 : i32
    %dma_start3A_50 = arith.constant 0 : i32
    %dma_start3A_51 = tpu.memref_slice %arg2[%dma_start3A_49, %dma_start3A_50] : memref<1000000x64xf32, #tpu.memory_space<hbm>> -> memref<1000000x64xf32, #tpu.memory_space<hbm>>
    tpu.enqueue_indirect_dma source(%dma_start3A_51 : memref<1000000x64xf32, #tpu.memory_space<hbm>>) target(%dma_start3A_46 : memref<128x64xf32, #tpu.memory_space<vmem>>) offsets(%dma_start3A_48 : memref<128xi32, #tpu.memory_space<vmem>>) semaphore(%arg8 : memref<!tpu.dma_semaphore, #tpu.memory_space<semaphore_mem>>)
    %dma_start3A_52 = arith.constant 2 : i32
    %dma_start3A_53 = arith.constant 128 : i32
    %dma_start3A_54 = arith.constant 0 : i32
    %dma_start3A_55 = tpu.memref_slice %arg6[%dma_start3A_52, %dma_start3A_53, %dma_start3A_54] : memref<4x200x64xf32, #tpu.memory_space<vmem>> -> memref<1x72x64xf32, #tpu.memory_space<vmem>>
    %dma_start3A_56 = tpu.memref_squeeze %dma_start3A_55 : memref<1x72x64xf32, #tpu.memory_space<vmem>> -> memref<72x64xf32, #tpu.memory_space<vmem>>
    %dma_start3A_57 = arith.constant 528 : i32
    %dma_start3A_58 = tpu.memref_slice %arg5[%dma_start3A_57] : memref<25600xi32, #tpu.memory_space<vmem>> -> memref<72xi32, #tpu.memory_space<vmem>>
    %dma_start3A_59 = arith.constant 0 : i32
    %dma_start3A_60 = arith.constant 0 : i32
    %dma_start3A_61 = tpu.memref_slice %arg2[%dma_start3A_59, %dma_start3A_60] : memref<1000000x64xf32, #tpu.memory_space<hbm>> -> memref<1000000x64xf32, #tpu.memory_space<hbm>>
    tpu.enqueue_indirect_dma source(%dma_start3A_61 : memref<1000000x64xf32, #tpu.memory_space<hbm>>) target(%dma_start3A_56 : memref<72x64xf32, #tpu.memory_space<vmem>>) offsets(%dma_start3A_58 : memref<72xi32, #tpu.memory_space<vmem>>) semaphore(%arg8 : memref<!tpu.dma_semaphore, #tpu.memory_space<semaphore_mem>>)
    %dma_start3A_62 = arith.constant 3 : i32
    %dma_start3A_63 = arith.constant 0 : i32
    %dma_start3A_64 = arith.constant 0 : i32
    %dma_start3A_65 = tpu.memref_slice %arg6[%dma_start3A_62, %dma_start3A_63, %dma_start3A_64] : memref<4x200x64xf32, #tpu.memory_space<vmem>> -> memref<1x128x64xf32, #tpu.memory_space<vmem>>
    %dma_start3A_66 = tpu.memref_squeeze %dma_start3A_65 : memref<1x128x64xf32, #tpu.memory_space<vmem>> -> memref<128x64xf32, #tpu.memory_space<vmem>>
    %dma_start3A_67 = arith.constant 600 : i32
    %dma_start3A_68 = tpu.memref_slice %arg5[%dma_start3A_67] : memref<25600xi32, #tpu.memory_space<vmem>> -> memref<128xi32, #tpu.memory_space<vmem>>
    %dma_start3A_69 = arith.constant 0 : i32
    %dma_start3A_70 = arith.constant 0 : i32
    %dma_start3A_71 = tpu.memref_slice %arg2[%dma_start3A_69, %dma_start3A_70] : memref<1000000x64xf32, #tpu.memory_space<hbm>> -> memref<1000000x64xf32, #tpu.memory_space<hbm>>
    tpu.enqueue_indirect_dma source(%dma_start3A_71 : memref<1000000x64xf32, #tpu.memory_space<hbm>>) target(%dma_start3A_66 : memref<128x64xf32, #tpu.memory_space<vmem>>) offsets(%dma_start3A_68 : memref<128xi32, #tpu.memory_space<vmem>>) semaphore(%arg8 : memref<!tpu.dma_semaphore, #tpu.memory_space<semaphore_mem>>)
    %dma_start3A_72 = arith.constant 3 : i32
    %dma_start3A_73 = arith.constant 128 : i32
    %dma_start3A_74 = arith.constant 0 : i32
    %dma_start3A_75 = tpu.memref_slice %arg6[%dma_start3A_72, %dma_start3A_73, %dma_start3A_74] : memref<4x200x64xf32, #tpu.memory_space<vmem>> -> memref<1x72x64xf32, #tpu.memory_space<vmem>>
    %dma_start3A_76 = tpu.memref_squeeze %dma_start3A_75 : memref<1x72x64xf32, #tpu.memory_space<vmem>> -> memref<72x64xf32, #tpu.memory_space<vmem>>
    %dma_start3A_77 = arith.constant 728 : i32
    %dma_start3A_78 = tpu.memref_slice %arg5[%dma_start3A_77] : memref<25600xi32, #tpu.memory_space<vmem>> -> memref<72xi32, #tpu.memory_space<vmem>>
    %dma_start3A_79 = arith.constant 0 : i32
    %dma_start3A_80 = arith.constant 0 : i32
    %dma_start3A_81 = tpu.memref_slice %arg2[%dma_start3A_79, %dma_start3A_80] : memref<1000000x64xf32, #tpu.memory_space<hbm>> -> memref<1000000x64xf32, #tpu.memory_space<hbm>>
    tpu.enqueue_indirect_dma source(%dma_start3A_81 : memref<1000000x64xf32, #tpu.memory_space<hbm>>) target(%dma_start3A_76 : memref<72x64xf32, #tpu.memory_space<vmem>>) offsets(%dma_start3A_78 : memref<72xi32, #tpu.memory_space<vmem>>) semaphore(%arg8 : memref<!tpu.dma_semaphore, #tpu.memory_space<semaphore_mem>>)
    %scan3A = arith.constant 0 : i32
    %scan3A_82 = arith.constant 0 : i32
    %scan3A_83 = arith.constant 16 : i32
    %scan3A_84 = arith.addi %scan3A_82, %scan3A_83 : i32
    %scan3A_85 = arith.constant 1 : i32
    scf.for %scan3A_94 = %scan3A_82 to %scan3A_84 step %scan3A_85  : i32 {
      %mul3A_95 = arith.constant 2 : i32
      %mul3A_96 = arith.muli %mul3A_95, %scan3A_94 : i32
      %add3A_97 = arith.constant 1 : i32
      %add3A_98 = arith.addi %mul3A_96, %add3A_97 : i32
      %mul3A_99 = arith.constant 800 : i32
      %mul3A_100 = arith.muli %add3A_98, %mul3A_99 : i32
      %add3A_101 = arith.constant 0 : i32
      %add3A_102 = arith.addi %mul3A_100, %add3A_101 : i32
      %add3A_103 = arith.constant 0 : i32
      %add3A_104 = arith.addi %add3A_102, %add3A_103 : i32
      %dma_start3A_105 = arith.constant 0 : i32
      %dma_start3A_106 = arith.constant 0 : i32
      %dma_start3A_107 = arith.constant 0 : i32
      %dma_start3A_108 = tpu.memref_slice %arg7[%dma_start3A_105, %dma_start3A_106, %dma_start3A_107] : memref<4x200x64xf32, #tpu.memory_space<vmem>> -> memref<1x128x64xf32, #tpu.memory_space<vmem>>
      %dma_start3A_109 = tpu.memref_squeeze %dma_start3A_108 : memref<1x128x64xf32, #tpu.memory_space<vmem>> -> memref<128x64xf32, #tpu.memory_space<vmem>>
      %dma_start3A_110 = tpu.memref_slice %arg5[%add3A_104] : memref<25600xi32, #tpu.memory_space<vmem>> -> memref<128xi32, #tpu.memory_space<vmem>>
      %dma_start3A_111 = arith.constant 0 : i32
      %dma_start3A_112 = arith.constant 0 : i32
      %dma_start3A_113 = tpu.memref_slice %arg2[%dma_start3A_111, %dma_start3A_112] : memref<1000000x64xf32, #tpu.memory_space<hbm>> -> memref<1000000x64xf32, #tpu.memory_space<hbm>>
      tpu.enqueue_indirect_dma source(%dma_start3A_113 : memref<1000000x64xf32, #tpu.memory_space<hbm>>) target(%dma_start3A_109 : memref<128x64xf32, #tpu.memory_space<vmem>>) offsets(%dma_start3A_110 : memref<128xi32, #tpu.memory_space<vmem>>) semaphore(%arg9 : memref<!tpu.dma_semaphore, #tpu.memory_space<semaphore_mem>>)
      %mul3A_114 = arith.constant 800 : i32
      %mul3A_115 = arith.muli %add3A_98, %mul3A_114 : i32
      %add3A_116 = arith.constant 0 : i32
      %add3A_117 = arith.addi %mul3A_115, %add3A_116 : i32
      %add3A_118 = arith.constant 128 : i32
      %add3A_119 = arith.addi %add3A_117, %add3A_118 : i32
      %dma_start3A_120 = arith.constant 0 : i32
      %dma_start3A_121 = arith.constant 128 : i32
      %dma_start3A_122 = arith.constant 0 : i32
      %dma_start3A_123 = tpu.memref_slice %arg7[%dma_start3A_120, %dma_start3A_121, %dma_start3A_122] : memref<4x200x64xf32, #tpu.memory_space<vmem>> -> memref<1x72x64xf32, #tpu.memory_space<vmem>>
      %dma_start3A_124 = tpu.memref_squeeze %dma_start3A_123 : memref<1x72x64xf32, #tpu.memory_space<vmem>> -> memref<72x64xf32, #tpu.memory_space<vmem>>
      %dma_start3A_125 = tpu.memref_slice %arg5[%add3A_119] : memref<25600xi32, #tpu.memory_space<vmem>> -> memref<72xi32, #tpu.memory_space<vmem>>
      %dma_start3A_126 = arith.constant 0 : i32
      %dma_start3A_127 = arith.constant 0 : i32
      %dma_start3A_128 = tpu.memref_slice %arg2[%dma_start3A_126, %dma_start3A_127] : memref<1000000x64xf32, #tpu.memory_space<hbm>> -> memref<1000000x64xf32, #tpu.memory_space<hbm>>
      tpu.enqueue_indirect_dma source(%dma_start3A_128 : memref<1000000x64xf32, #tpu.memory_space<hbm>>) target(%dma_start3A_124 : memref<72x64xf32, #tpu.memory_space<vmem>>) offsets(%dma_start3A_125 : memref<72xi32, #tpu.memory_space<vmem>>) semaphore(%arg9 : memref<!tpu.dma_semaphore, #tpu.memory_space<semaphore_mem>>)
      %mul3A_129 = arith.constant 800 : i32
      %mul3A_130 = arith.muli %add3A_98, %mul3A_129 : i32
      %add3A_131 = arith.constant 200 : i32
      %add3A_132 = arith.addi %mul3A_130, %add3A_131 : i32
      %add3A_133 = arith.constant 0 : i32
      %add3A_134 = arith.addi %add3A_132, %add3A_133 : i32
      %dma_start3A_135 = arith.constant 1 : i32
      %dma_start3A_136 = arith.constant 0 : i32
      %dma_start3A_137 = arith.constant 0 : i32
      %dma_start3A_138 = tpu.memref_slice %arg7[%dma_start3A_135, %dma_start3A_136, %dma_start3A_137] : memref<4x200x64xf32, #tpu.memory_space<vmem>> -> memref<1x128x64xf32, #tpu.memory_space<vmem>>
      %dma_start3A_139 = tpu.memref_squeeze %dma_start3A_138 : memref<1x128x64xf32, #tpu.memory_space<vmem>> -> memref<128x64xf32, #tpu.memory_space<vmem>>
      %dma_start3A_140 = tpu.memref_slice %arg5[%add3A_134] : memref<25600xi32, #tpu.memory_space<vmem>> -> memref<128xi32, #tpu.memory_space<vmem>>
      %dma_start3A_141 = arith.constant 0 : i32
      %dma_start3A_142 = arith.constant 0 : i32
      %dma_start3A_143 = tpu.memref_slice %arg2[%dma_start3A_141, %dma_start3A_142] : memref<1000000x64xf32, #tpu.memory_space<hbm>> -> memref<1000000x64xf32, #tpu.memory_space<hbm>>
      tpu.enqueue_indirect_dma source(%dma_start3A_143 : memref<1000000x64xf32, #tpu.memory_space<hbm>>) target(%dma_start3A_139 : memref<128x64xf32, #tpu.memory_space<vmem>>) offsets(%dma_start3A_140 : memref<128xi32, #tpu.memory_space<vmem>>) semaphore(%arg9 : memref<!tpu.dma_semaphore, #tpu.memory_space<semaphore_mem>>)
      %mul3A_144 = arith.constant 800 : i32
      %mul3A_145 = arith.muli %add3A_98, %mul3A_144 : i32
      %add3A_146 = arith.constant 200 : i32
      %add3A_147 = arith.addi %mul3A_145, %add3A_146 : i32
      %add3A_148 = arith.constant 128 : i32
      %add3A_149 = arith.addi %add3A_147, %add3A_148 : i32
      %dma_start3A_150 = arith.constant 1 : i32
      %dma_start3A_151 = arith.constant 128 : i32
      %dma_start3A_152 = arith.constant 0 : i32
      %dma_start3A_153 = tpu.memref_slice %arg7[%dma_start3A_150, %dma_start3A_151, %dma_start3A_152] : memref<4x200x64xf32, #tpu.memory_space<vmem>> -> memref<1x72x64xf32, #tpu.memory_space<vmem>>
      %dma_start3A_154 = tpu.memref_squeeze %dma_start3A_153 : memref<1x72x64xf32, #tpu.memory_space<vmem>> -> memref<72x64xf32, #tpu.memory_space<vmem>>
      %dma_start3A_155 = tpu.memref_slice %arg5[%add3A_149] : memref<25600xi32, #tpu.memory_space<vmem>> -> memref<72xi32, #tpu.memory_space<vmem>>
      %dma_start3A_156 = arith.constant 0 : i32
      %dma_start3A_157 = arith.constant 0 : i32
      %dma_start3A_158 = tpu.memref_slice %arg2[%dma_start3A_156, %dma_start3A_157] : memref<1000000x64xf32, #tpu.memory_space<hbm>> -> memref<1000000x64xf32, #tpu.memory_space<hbm>>
      tpu.enqueue_indirect_dma source(%dma_start3A_158 : memref<1000000x64xf32, #tpu.memory_space<hbm>>) target(%dma_start3A_154 : memref<72x64xf32, #tpu.memory_space<vmem>>) offsets(%dma_start3A_155 : memref<72xi32, #tpu.memory_space<vmem>>) semaphore(%arg9 : memref<!tpu.dma_semaphore, #tpu.memory_space<semaphore_mem>>)
      %mul3A_159 = arith.constant 800 : i32
      %mul3A_160 = arith.muli %add3A_98, %mul3A_159 : i32
      %add3A_161 = arith.constant 400 : i32
      %add3A_162 = arith.addi %mul3A_160, %add3A_161 : i32
      %add3A_163 = arith.constant 0 : i32
      %add3A_164 = arith.addi %add3A_162, %add3A_163 : i32
      %dma_start3A_165 = arith.constant 2 : i32
      %dma_start3A_166 = arith.constant 0 : i32
      %dma_start3A_167 = arith.constant 0 : i32
      %dma_start3A_168 = tpu.memref_slice %arg7[%dma_start3A_165, %dma_start3A_166, %dma_start3A_167] : memref<4x200x64xf32, #tpu.memory_space<vmem>> -> memref<1x128x64xf32, #tpu.memory_space<vmem>>
      %dma_start3A_169 = tpu.memref_squeeze %dma_start3A_168 : memref<1x128x64xf32, #tpu.memory_space<vmem>> -> memref<128x64xf32, #tpu.memory_space<vmem>>
      %dma_start3A_170 = tpu.memref_slice %arg5[%add3A_164] : memref<25600xi32, #tpu.memory_space<vmem>> -> memref<128xi32, #tpu.memory_space<vmem>>
      %dma_start3A_171 = arith.constant 0 : i32
      %dma_start3A_172 = arith.constant 0 : i32
      %dma_start3A_173 = tpu.memref_slice %arg2[%dma_start3A_171, %dma_start3A_172] : memref<1000000x64xf32, #tpu.memory_space<hbm>> -> memref<1000000x64xf32, #tpu.memory_space<hbm>>
      tpu.enqueue_indirect_dma source(%dma_start3A_173 : memref<1000000x64xf32, #tpu.memory_space<hbm>>) target(%dma_start3A_169 : memref<128x64xf32, #tpu.memory_space<vmem>>) offsets(%dma_start3A_170 : memref<128xi32, #tpu.memory_space<vmem>>) semaphore(%arg9 : memref<!tpu.dma_semaphore, #tpu.memory_space<semaphore_mem>>)
      %mul3A_174 = arith.constant 800 : i32
      %mul3A_175 = arith.muli %add3A_98, %mul3A_174 : i32
      %add3A_176 = arith.constant 400 : i32
      %add3A_177 = arith.addi %mul3A_175, %add3A_176 : i32
      %add3A_178 = arith.constant 128 : i32
      %add3A_179 = arith.addi %add3A_177, %add3A_178 : i32
      %dma_start3A_180 = arith.constant 2 : i32
      %dma_start3A_181 = arith.constant 128 : i32
      %dma_start3A_182 = arith.constant 0 : i32
      %dma_start3A_183 = tpu.memref_slice %arg7[%dma_start3A_180, %dma_start3A_181, %dma_start3A_182] : memref<4x200x64xf32, #tpu.memory_space<vmem>> -> memref<1x72x64xf32, #tpu.memory_space<vmem>>
      %dma_start3A_184 = tpu.memref_squeeze %dma_start3A_183 : memref<1x72x64xf32, #tpu.memory_space<vmem>> -> memref<72x64xf32, #tpu.memory_space<vmem>>
      %dma_start3A_185 = tpu.memref_slice %arg5[%add3A_179] : memref<25600xi32, #tpu.memory_space<vmem>> -> memref<72xi32, #tpu.memory_space<vmem>>
      %dma_start3A_186 = arith.constant 0 : i32
      %dma_start3A_187 = arith.constant 0 : i32
      %dma_start3A_188 = tpu.memref_slice %arg2[%dma_start3A_186, %dma_start3A_187] : memref<1000000x64xf32, #tpu.memory_space<hbm>> -> memref<1000000x64xf32, #tpu.memory_space<hbm>>
      tpu.enqueue_indirect_dma source(%dma_start3A_188 : memref<1000000x64xf32, #tpu.memory_space<hbm>>) target(%dma_start3A_184 : memref<72x64xf32, #tpu.memory_space<vmem>>) offsets(%dma_start3A_185 : memref<72xi32, #tpu.memory_space<vmem>>) semaphore(%arg9 : memref<!tpu.dma_semaphore, #tpu.memory_space<semaphore_mem>>)
      %mul3A_189 = arith.constant 800 : i32
      %mul3A_190 = arith.muli %add3A_98, %mul3A_189 : i32
      %add3A_191 = arith.constant 600 : i32
      %add3A_192 = arith.addi %mul3A_190, %add3A_191 : i32
      %add3A_193 = arith.constant 0 : i32
      %add3A_194 = arith.addi %add3A_192, %add3A_193 : i32
      %dma_start3A_195 = arith.constant 3 : i32
      %dma_start3A_196 = arith.constant 0 : i32
      %dma_start3A_197 = arith.constant 0 : i32
      %dma_start3A_198 = tpu.memref_slice %arg7[%dma_start3A_195, %dma_start3A_196, %dma_start3A_197] : memref<4x200x64xf32, #tpu.memory_space<vmem>> -> memref<1x128x64xf32, #tpu.memory_space<vmem>>
      %dma_start3A_199 = tpu.memref_squeeze %dma_start3A_198 : memref<1x128x64xf32, #tpu.memory_space<vmem>> -> memref<128x64xf32, #tpu.memory_space<vmem>>
      %dma_start3A_200 = tpu.memref_slice %arg5[%add3A_194] : memref<25600xi32, #tpu.memory_space<vmem>> -> memref<128xi32, #tpu.memory_space<vmem>>
      %dma_start3A_201 = arith.constant 0 : i32
      %dma_start3A_202 = arith.constant 0 : i32
      %dma_start3A_203 = tpu.memref_slice %arg2[%dma_start3A_201, %dma_start3A_202] : memref<1000000x64xf32, #tpu.memory_space<hbm>> -> memref<1000000x64xf32, #tpu.memory_space<hbm>>
      tpu.enqueue_indirect_dma source(%dma_start3A_203 : memref<1000000x64xf32, #tpu.memory_space<hbm>>) target(%dma_start3A_199 : memref<128x64xf32, #tpu.memory_space<vmem>>) offsets(%dma_start3A_200 : memref<128xi32, #tpu.memory_space<vmem>>) semaphore(%arg9 : memref<!tpu.dma_semaphore, #tpu.memory_space<semaphore_mem>>)
      %mul3A_204 = arith.constant 800 : i32
      %mul3A_205 = arith.muli %add3A_98, %mul3A_204 : i32
      %add3A_206 = arith.constant 600 : i32
      %add3A_207 = arith.addi %mul3A_205, %add3A_206 : i32
      %add3A_208 = arith.constant 128 : i32
      %add3A_209 = arith.addi %add3A_207, %add3A_208 : i32
      %dma_start3A_210 = arith.constant 3 : i32
      %dma_start3A_211 = arith.constant 128 : i32
      %dma_start3A_212 = arith.constant 0 : i32
      %dma_start3A_213 = tpu.memref_slice %arg7[%dma_start3A_210, %dma_start3A_211, %dma_start3A_212] : memref<4x200x64xf32, #tpu.memory_space<vmem>> -> memref<1x72x64xf32, #tpu.memory_space<vmem>>
      %dma_start3A_214 = tpu.memref_squeeze %dma_start3A_213 : memref<1x72x64xf32, #tpu.memory_space<vmem>> -> memref<72x64xf32, #tpu.memory_space<vmem>>
      %dma_start3A_215 = tpu.memref_slice %arg5[%add3A_209] : memref<25600xi32, #tpu.memory_space<vmem>> -> memref<72xi32, #tpu.memory_space<vmem>>
      %dma_start3A_216 = arith.constant 0 : i32
      %dma_start3A_217 = arith.constant 0 : i32
      %dma_start3A_218 = tpu.memref_slice %arg2[%dma_start3A_216, %dma_start3A_217] : memref<1000000x64xf32, #tpu.memory_space<hbm>> -> memref<1000000x64xf32, #tpu.memory_space<hbm>>
      tpu.enqueue_indirect_dma source(%dma_start3A_218 : memref<1000000x64xf32, #tpu.memory_space<hbm>>) target(%dma_start3A_214 : memref<72x64xf32, #tpu.memory_space<vmem>>) offsets(%dma_start3A_215 : memref<72xi32, #tpu.memory_space<vmem>>) semaphore(%arg9 : memref<!tpu.dma_semaphore, #tpu.memory_space<semaphore_mem>>)
      %dma_wait3A_219 = arith.constant 0 : i32
      %dma_wait3A_220 = arith.constant 0 : i32
      %dma_wait3A_221 = arith.constant 0 : i32
      %dma_wait3A_222 = tpu.memref_slice %arg4[%dma_wait3A_219, %dma_wait3A_220, %dma_wait3A_221] : memref<4096x200x64xf32, #tpu.memory_space<hbm>> -> memref<4x200x64xf32, #tpu.memory_space<hbm>>
      %dma_wait3A_223 = arith.constant 0 : i32
      %dma_wait3A_224 = arith.constant 0 : i32
      %dma_wait3A_225 = arith.constant 0 : i32
      %dma_wait3A_226 = tpu.memref_slice %arg4[%dma_wait3A_223, %dma_wait3A_224, %dma_wait3A_225] : memref<4096x200x64xf32, #tpu.memory_space<hbm>> -> memref<4x200x64xf32, #tpu.memory_space<hbm>>
      tpu.wait_dma2 semaphore(%arg8 : memref<!tpu.dma_semaphore, #tpu.memory_space<semaphore_mem>>) src(%dma_wait3A_226 : memref<4x200x64xf32, #tpu.memory_space<hbm>>) dst(%arg6 : memref<4x200x64xf32, #tpu.memory_space<vmem>>)
      %mul3A_227 = arith.constant 128 : i32
      %mul3A_228 = arith.muli %add3A, %mul3A_227 : i32
      %mul3A_229 = arith.constant 4 : i32
      %mul3A_230 = arith.muli %mul3A_96, %mul3A_229 : i32
      %add3A_231 = arith.addi %mul3A_228, %mul3A_230 : i32
      "tpu.region"() ({
        %run_scoped3A = tpu.sem_alloc : memref<!tpu.dma_semaphore, #tpu.memory_space<semaphore_mem>>
        %dma_start3A_368 = arith.constant 0 : i32
        %dma_start3A_369 = arith.constant 0 : i32
        %dma_start3A_370 = tpu.memref_slice %arg4[%add3A_231, %dma_start3A_368, %dma_start3A_369] : memref<4096x200x64xf32, #tpu.memory_space<hbm>> -> memref<4x200x64xf32, #tpu.memory_space<hbm>>
        %dma_start3A_371 = arith.constant 0 : i32
        %dma_start3A_372 = arith.constant 0 : i32
        %dma_start3A_373 = tpu.memref_slice %arg4[%add3A_231, %dma_start3A_371, %dma_start3A_372] : memref<4096x200x64xf32, #tpu.memory_space<hbm>> -> memref<4x200x64xf32, #tpu.memory_space<hbm>>
        tpu.enqueue_dma source(%arg6 : memref<4x200x64xf32, #tpu.memory_space<vmem>>) target(%dma_start3A_373 : memref<4x200x64xf32, #tpu.memory_space<hbm>>) target_semaphore(%run_scoped3A : memref<!tpu.dma_semaphore, #tpu.memory_space<semaphore_mem>>)
        %dma_wait3A_374 = arith.constant 0 : i32
        %dma_wait3A_375 = arith.constant 0 : i32
        %dma_wait3A_376 = tpu.memref_slice %arg4[%add3A_231, %dma_wait3A_374, %dma_wait3A_375] : memref<4096x200x64xf32, #tpu.memory_space<hbm>> -> memref<4x200x64xf32, #tpu.memory_space<hbm>>
        %dma_wait3A_377 = arith.constant 0 : i32
        %dma_wait3A_378 = arith.constant 0 : i32
        %dma_wait3A_379 = tpu.memref_slice %arg4[%add3A_231, %dma_wait3A_377, %dma_wait3A_378] : memref<4096x200x64xf32, #tpu.memory_space<hbm>> -> memref<4x200x64xf32, #tpu.memory_space<hbm>>
        tpu.wait_dma2 semaphore(%run_scoped3A : memref<!tpu.dma_semaphore, #tpu.memory_space<semaphore_mem>>) src(%arg6 : memref<4x200x64xf32, #tpu.memory_space<vmem>>) dst(%dma_wait3A_379 : memref<4x200x64xf32, #tpu.memory_space<hbm>>)
        tpu.yield
      }) : () -> ()
      %add3A_232 = arith.constant 2 : i32
      %add3A_233 = arith.addi %mul3A_96, %add3A_232 : i32
      %min3A = arith.constant 31 : i32
      %min3A_234 = arith.minsi %add3A_233, %min3A : i32
      %mul3A_235 = arith.constant 800 : i32
      %mul3A_236 = arith.muli %min3A_234, %mul3A_235 : i32
      %add3A_237 = arith.constant 0 : i32
      %add3A_238 = arith.addi %mul3A_236, %add3A_237 : i32
      %add3A_239 = arith.constant 0 : i32
      %add3A_240 = arith.addi %add3A_238, %add3A_239 : i32
      %dma_start3A_241 = arith.constant 0 : i32
      %dma_start3A_242 = arith.constant 0 : i32
      %dma_start3A_243 = arith.constant 0 : i32
      %dma_start3A_244 = tpu.memref_slice %arg6[%dma_start3A_241, %dma_start3A_242, %dma_start3A_243] : memref<4x200x64xf32, #tpu.memory_space<vmem>> -> memref<1x128x64xf32, #tpu.memory_space<vmem>>
      %dma_start3A_245 = tpu.memref_squeeze %dma_start3A_244 : memref<1x128x64xf32, #tpu.memory_space<vmem>> -> memref<128x64xf32, #tpu.memory_space<vmem>>
      %dma_start3A_246 = tpu.memref_slice %arg5[%add3A_240] : memref<25600xi32, #tpu.memory_space<vmem>> -> memref<128xi32, #tpu.memory_space<vmem>>
      %dma_start3A_247 = arith.constant 0 : i32
      %dma_start3A_248 = arith.constant 0 : i32
      %dma_start3A_249 = tpu.memref_slice %arg2[%dma_start3A_247, %dma_start3A_248] : memref<1000000x64xf32, #tpu.memory_space<hbm>> -> memref<1000000x64xf32, #tpu.memory_space<hbm>>
      tpu.enqueue_indirect_dma source(%dma_start3A_249 : memref<1000000x64xf32, #tpu.memory_space<hbm>>) target(%dma_start3A_245 : memref<128x64xf32, #tpu.memory_space<vmem>>) offsets(%dma_start3A_246 : memref<128xi32, #tpu.memory_space<vmem>>) semaphore(%arg8 : memref<!tpu.dma_semaphore, #tpu.memory_space<semaphore_mem>>)
      %mul3A_250 = arith.constant 800 : i32
      %mul3A_251 = arith.muli %min3A_234, %mul3A_250 : i32
      %add3A_252 = arith.constant 0 : i32
      %add3A_253 = arith.addi %mul3A_251, %add3A_252 : i32
      %add3A_254 = arith.constant 128 : i32
      %add3A_255 = arith.addi %add3A_253, %add3A_254 : i32
      %dma_start3A_256 = arith.constant 0 : i32
      %dma_start3A_257 = arith.constant 128 : i32
      %dma_start3A_258 = arith.constant 0 : i32
      %dma_start3A_259 = tpu.memref_slice %arg6[%dma_start3A_256, %dma_start3A_257, %dma_start3A_258] : memref<4x200x64xf32, #tpu.memory_space<vmem>> -> memref<1x72x64xf32, #tpu.memory_space<vmem>>
      %dma_start3A_260 = tpu.memref_squeeze %dma_start3A_259 : memref<1x72x64xf32, #tpu.memory_space<vmem>> -> memref<72x64xf32, #tpu.memory_space<vmem>>
      %dma_start3A_261 = tpu.memref_slice %arg5[%add3A_255] : memref<25600xi32, #tpu.memory_space<vmem>> -> memref<72xi32, #tpu.memory_space<vmem>>
      %dma_start3A_262 = arith.constant 0 : i32
      %dma_start3A_263 = arith.constant 0 : i32
      %dma_start3A_264 = tpu.memref_slice %arg2[%dma_start3A_262, %dma_start3A_263] : memref<1000000x64xf32, #tpu.memory_space<hbm>> -> memref<1000000x64xf32, #tpu.memory_space<hbm>>
      tpu.enqueue_indirect_dma source(%dma_start3A_264 : memref<1000000x64xf32, #tpu.memory_space<hbm>>) target(%dma_start3A_260 : memref<72x64xf32, #tpu.memory_space<vmem>>) offsets(%dma_start3A_261 : memref<72xi32, #tpu.memory_space<vmem>>) semaphore(%arg8 : memref<!tpu.dma_semaphore, #tpu.memory_space<semaphore_mem>>)
      %mul3A_265 = arith.constant 800 : i32
      %mul3A_266 = arith.muli %min3A_234, %mul3A_265 : i32
      %add3A_267 = arith.constant 200 : i32
      %add3A_268 = arith.addi %mul3A_266, %add3A_267 : i32
      %add3A_269 = arith.constant 0 : i32
      %add3A_270 = arith.addi %add3A_268, %add3A_269 : i32
      %dma_start3A_271 = arith.constant 1 : i32
      %dma_start3A_272 = arith.constant 0 : i32
      %dma_start3A_273 = arith.constant 0 : i32
      %dma_start3A_274 = tpu.memref_slice %arg6[%dma_start3A_271, %dma_start3A_272, %dma_start3A_273] : memref<4x200x64xf32, #tpu.memory_space<vmem>> -> memref<1x128x64xf32, #tpu.memory_space<vmem>>
      %dma_start3A_275 = tpu.memref_squeeze %dma_start3A_274 : memref<1x128x64xf32, #tpu.memory_space<vmem>> -> memref<128x64xf32, #tpu.memory_space<vmem>>
      %dma_start3A_276 = tpu.memref_slice %arg5[%add3A_270] : memref<25600xi32, #tpu.memory_space<vmem>> -> memref<128xi32, #tpu.memory_space<vmem>>
      %dma_start3A_277 = arith.constant 0 : i32
      %dma_start3A_278 = arith.constant 0 : i32
      %dma_start3A_279 = tpu.memref_slice %arg2[%dma_start3A_277, %dma_start3A_278] : memref<1000000x64xf32, #tpu.memory_space<hbm>> -> memref<1000000x64xf32, #tpu.memory_space<hbm>>
      tpu.enqueue_indirect_dma source(%dma_start3A_279 : memref<1000000x64xf32, #tpu.memory_space<hbm>>) target(%dma_start3A_275 : memref<128x64xf32, #tpu.memory_space<vmem>>) offsets(%dma_start3A_276 : memref<128xi32, #tpu.memory_space<vmem>>) semaphore(%arg8 : memref<!tpu.dma_semaphore, #tpu.memory_space<semaphore_mem>>)
      %mul3A_280 = arith.constant 800 : i32
      %mul3A_281 = arith.muli %min3A_234, %mul3A_280 : i32
      %add3A_282 = arith.constant 200 : i32
      %add3A_283 = arith.addi %mul3A_281, %add3A_282 : i32
      %add3A_284 = arith.constant 128 : i32
      %add3A_285 = arith.addi %add3A_283, %add3A_284 : i32
      %dma_start3A_286 = arith.constant 1 : i32
      %dma_start3A_287 = arith.constant 128 : i32
      %dma_start3A_288 = arith.constant 0 : i32
      %dma_start3A_289 = tpu.memref_slice %arg6[%dma_start3A_286, %dma_start3A_287, %dma_start3A_288] : memref<4x200x64xf32, #tpu.memory_space<vmem>> -> memref<1x72x64xf32, #tpu.memory_space<vmem>>
      %dma_start3A_290 = tpu.memref_squeeze %dma_start3A_289 : memref<1x72x64xf32, #tpu.memory_space<vmem>> -> memref<72x64xf32, #tpu.memory_space<vmem>>
      %dma_start3A_291 = tpu.memref_slice %arg5[%add3A_285] : memref<25600xi32, #tpu.memory_space<vmem>> -> memref<72xi32, #tpu.memory_space<vmem>>
      %dma_start3A_292 = arith.constant 0 : i32
      %dma_start3A_293 = arith.constant 0 : i32
      %dma_start3A_294 = tpu.memref_slice %arg2[%dma_start3A_292, %dma_start3A_293] : memref<1000000x64xf32, #tpu.memory_space<hbm>> -> memref<1000000x64xf32, #tpu.memory_space<hbm>>
      tpu.enqueue_indirect_dma source(%dma_start3A_294 : memref<1000000x64xf32, #tpu.memory_space<hbm>>) target(%dma_start3A_290 : memref<72x64xf32, #tpu.memory_space<vmem>>) offsets(%dma_start3A_291 : memref<72xi32, #tpu.memory_space<vmem>>) semaphore(%arg8 : memref<!tpu.dma_semaphore, #tpu.memory_space<semaphore_mem>>)
      %mul3A_295 = arith.constant 800 : i32
      %mul3A_296 = arith.muli %min3A_234, %mul3A_295 : i32
      %add3A_297 = arith.constant 400 : i32
      %add3A_298 = arith.addi %mul3A_296, %add3A_297 : i32
      %add3A_299 = arith.constant 0 : i32
      %add3A_300 = arith.addi %add3A_298, %add3A_299 : i32
      %dma_start3A_301 = arith.constant 2 : i32
      %dma_start3A_302 = arith.constant 0 : i32
      %dma_start3A_303 = arith.constant 0 : i32
      %dma_start3A_304 = tpu.memref_slice %arg6[%dma_start3A_301, %dma_start3A_302, %dma_start3A_303] : memref<4x200x64xf32, #tpu.memory_space<vmem>> -> memref<1x128x64xf32, #tpu.memory_space<vmem>>
      %dma_start3A_305 = tpu.memref_squeeze %dma_start3A_304 : memref<1x128x64xf32, #tpu.memory_space<vmem>> -> memref<128x64xf32, #tpu.memory_space<vmem>>
      %dma_start3A_306 = tpu.memref_slice %arg5[%add3A_300] : memref<25600xi32, #tpu.memory_space<vmem>> -> memref<128xi32, #tpu.memory_space<vmem>>
      %dma_start3A_307 = arith.constant 0 : i32
      %dma_start3A_308 = arith.constant 0 : i32
      %dma_start3A_309 = tpu.memref_slice %arg2[%dma_start3A_307, %dma_start3A_308] : memref<1000000x64xf32, #tpu.memory_space<hbm>> -> memref<1000000x64xf32, #tpu.memory_space<hbm>>
      tpu.enqueue_indirect_dma source(%dma_start3A_309 : memref<1000000x64xf32, #tpu.memory_space<hbm>>) target(%dma_start3A_305 : memref<128x64xf32, #tpu.memory_space<vmem>>) offsets(%dma_start3A_306 : memref<128xi32, #tpu.memory_space<vmem>>) semaphore(%arg8 : memref<!tpu.dma_semaphore, #tpu.memory_space<semaphore_mem>>)
      %mul3A_310 = arith.constant 800 : i32
      %mul3A_311 = arith.muli %min3A_234, %mul3A_310 : i32
      %add3A_312 = arith.constant 400 : i32
      %add3A_313 = arith.addi %mul3A_311, %add3A_312 : i32
      %add3A_314 = arith.constant 128 : i32
      %add3A_315 = arith.addi %add3A_313, %add3A_314 : i32
      %dma_start3A_316 = arith.constant 2 : i32
      %dma_start3A_317 = arith.constant 128 : i32
      %dma_start3A_318 = arith.constant 0 : i32
      %dma_start3A_319 = tpu.memref_slice %arg6[%dma_start3A_316, %dma_start3A_317, %dma_start3A_318] : memref<4x200x64xf32, #tpu.memory_space<vmem>> -> memref<1x72x64xf32, #tpu.memory_space<vmem>>
      %dma_start3A_320 = tpu.memref_squeeze %dma_start3A_319 : memref<1x72x64xf32, #tpu.memory_space<vmem>> -> memref<72x64xf32, #tpu.memory_space<vmem>>
      %dma_start3A_321 = tpu.memref_slice %arg5[%add3A_315] : memref<25600xi32, #tpu.memory_space<vmem>> -> memref<72xi32, #tpu.memory_space<vmem>>
      %dma_start3A_322 = arith.constant 0 : i32
      %dma_start3A_323 = arith.constant 0 : i32
      %dma_start3A_324 = tpu.memref_slice %arg2[%dma_start3A_322, %dma_start3A_323] : memref<1000000x64xf32, #tpu.memory_space<hbm>> -> memref<1000000x64xf32, #tpu.memory_space<hbm>>
      tpu.enqueue_indirect_dma source(%dma_start3A_324 : memref<1000000x64xf32, #tpu.memory_space<hbm>>) target(%dma_start3A_320 : memref<72x64xf32, #tpu.memory_space<vmem>>) offsets(%dma_start3A_321 : memref<72xi32, #tpu.memory_space<vmem>>) semaphore(%arg8 : memref<!tpu.dma_semaphore, #tpu.memory_space<semaphore_mem>>)
      %mul3A_325 = arith.constant 800 : i32
      %mul3A_326 = arith.muli %min3A_234, %mul3A_325 : i32
      %add3A_327 = arith.constant 600 : i32
      %add3A_328 = arith.addi %mul3A_326, %add3A_327 : i32
      %add3A_329 = arith.constant 0 : i32
      %add3A_330 = arith.addi %add3A_328, %add3A_329 : i32
      %dma_start3A_331 = arith.constant 3 : i32
      %dma_start3A_332 = arith.constant 0 : i32
      %dma_start3A_333 = arith.constant 0 : i32
      %dma_start3A_334 = tpu.memref_slice %arg6[%dma_start3A_331, %dma_start3A_332, %dma_start3A_333] : memref<4x200x64xf32, #tpu.memory_space<vmem>> -> memref<1x128x64xf32, #tpu.memory_space<vmem>>
      %dma_start3A_335 = tpu.memref_squeeze %dma_start3A_334 : memref<1x128x64xf32, #tpu.memory_space<vmem>> -> memref<128x64xf32, #tpu.memory_space<vmem>>
      %dma_start3A_336 = tpu.memref_slice %arg5[%add3A_330] : memref<25600xi32, #tpu.memory_space<vmem>> -> memref<128xi32, #tpu.memory_space<vmem>>
      %dma_start3A_337 = arith.constant 0 : i32
      %dma_start3A_338 = arith.constant 0 : i32
      %dma_start3A_339 = tpu.memref_slice %arg2[%dma_start3A_337, %dma_start3A_338] : memref<1000000x64xf32, #tpu.memory_space<hbm>> -> memref<1000000x64xf32, #tpu.memory_space<hbm>>
      tpu.enqueue_indirect_dma source(%dma_start3A_339 : memref<1000000x64xf32, #tpu.memory_space<hbm>>) target(%dma_start3A_335 : memref<128x64xf32, #tpu.memory_space<vmem>>) offsets(%dma_start3A_336 : memref<128xi32, #tpu.memory_space<vmem>>) semaphore(%arg8 : memref<!tpu.dma_semaphore, #tpu.memory_space<semaphore_mem>>)
      %mul3A_340 = arith.constant 800 : i32
      %mul3A_341 = arith.muli %min3A_234, %mul3A_340 : i32
      %add3A_342 = arith.constant 600 : i32
      %add3A_343 = arith.addi %mul3A_341, %add3A_342 : i32
      %add3A_344 = arith.constant 128 : i32
      %add3A_345 = arith.addi %add3A_343, %add3A_344 : i32
      %dma_start3A_346 = arith.constant 3 : i32
      %dma_start3A_347 = arith.constant 128 : i32
      %dma_start3A_348 = arith.constant 0 : i32
      %dma_start3A_349 = tpu.memref_slice %arg6[%dma_start3A_346, %dma_start3A_347, %dma_start3A_348] : memref<4x200x64xf32, #tpu.memory_space<vmem>> -> memref<1x72x64xf32, #tpu.memory_space<vmem>>
      %dma_start3A_350 = tpu.memref_squeeze %dma_start3A_349 : memref<1x72x64xf32, #tpu.memory_space<vmem>> -> memref<72x64xf32, #tpu.memory_space<vmem>>
      %dma_start3A_351 = tpu.memref_slice %arg5[%add3A_345] : memref<25600xi32, #tpu.memory_space<vmem>> -> memref<72xi32, #tpu.memory_space<vmem>>
      %dma_start3A_352 = arith.constant 0 : i32
      %dma_start3A_353 = arith.constant 0 : i32
      %dma_start3A_354 = tpu.memref_slice %arg2[%dma_start3A_352, %dma_start3A_353] : memref<1000000x64xf32, #tpu.memory_space<hbm>> -> memref<1000000x64xf32, #tpu.memory_space<hbm>>
      tpu.enqueue_indirect_dma source(%dma_start3A_354 : memref<1000000x64xf32, #tpu.memory_space<hbm>>) target(%dma_start3A_350 : memref<72x64xf32, #tpu.memory_space<vmem>>) offsets(%dma_start3A_351 : memref<72xi32, #tpu.memory_space<vmem>>) semaphore(%arg8 : memref<!tpu.dma_semaphore, #tpu.memory_space<semaphore_mem>>)
      %dma_wait3A_355 = arith.constant 0 : i32
      %dma_wait3A_356 = arith.constant 0 : i32
      %dma_wait3A_357 = arith.constant 0 : i32
      %dma_wait3A_358 = tpu.memref_slice %arg4[%dma_wait3A_355, %dma_wait3A_356, %dma_wait3A_357] : memref<4096x200x64xf32, #tpu.memory_space<hbm>> -> memref<4x200x64xf32, #tpu.memory_space<hbm>>
      %dma_wait3A_359 = arith.constant 0 : i32
      %dma_wait3A_360 = arith.constant 0 : i32
      %dma_wait3A_361 = arith.constant 0 : i32
      %dma_wait3A_362 = tpu.memref_slice %arg4[%dma_wait3A_359, %dma_wait3A_360, %dma_wait3A_361] : memref<4096x200x64xf32, #tpu.memory_space<hbm>> -> memref<4x200x64xf32, #tpu.memory_space<hbm>>
      tpu.wait_dma2 semaphore(%arg9 : memref<!tpu.dma_semaphore, #tpu.memory_space<semaphore_mem>>) src(%dma_wait3A_362 : memref<4x200x64xf32, #tpu.memory_space<hbm>>) dst(%arg7 : memref<4x200x64xf32, #tpu.memory_space<vmem>>)
      %mul3A_363 = arith.constant 128 : i32
      %mul3A_364 = arith.muli %add3A, %mul3A_363 : i32
      %mul3A_365 = arith.constant 4 : i32
      %mul3A_366 = arith.muli %add3A_98, %mul3A_365 : i32
      %add3A_367 = arith.addi %mul3A_364, %mul3A_366 : i32
      "tpu.region"() ({
        %run_scoped3A = tpu.sem_alloc : memref<!tpu.dma_semaphore, #tpu.memory_space<semaphore_mem>>
        %dma_start3A_368 = arith.constant 0 : i32
        %dma_start3A_369 = arith.constant 0 : i32
        %dma_start3A_370 = tpu.memref_slice %arg4[%add3A_367, %dma_start3A_368, %dma_start3A_369] : memref<4096x200x64xf32, #tpu.memory_space<hbm>> -> memref<4x200x64xf32, #tpu.memory_space<hbm>>
        %dma_start3A_371 = arith.constant 0 : i32
        %dma_start3A_372 = arith.constant 0 : i32
        %dma_start3A_373 = tpu.memref_slice %arg4[%add3A_367, %dma_start3A_371, %dma_start3A_372] : memref<4096x200x64xf32, #tpu.memory_space<hbm>> -> memref<4x200x64xf32, #tpu.memory_space<hbm>>
        tpu.enqueue_dma source(%arg7 : memref<4x200x64xf32, #tpu.memory_space<vmem>>) target(%dma_start3A_373 : memref<4x200x64xf32, #tpu.memory_space<hbm>>) target_semaphore(%run_scoped3A : memref<!tpu.dma_semaphore, #tpu.memory_space<semaphore_mem>>)
        %dma_wait3A_374 = arith.constant 0 : i32
        %dma_wait3A_375 = arith.constant 0 : i32
        %dma_wait3A_376 = tpu.memref_slice %arg4[%add3A_367, %dma_wait3A_374, %dma_wait3A_375] : memref<4096x200x64xf32, #tpu.memory_space<hbm>> -> memref<4x200x64xf32, #tpu.memory_space<hbm>>
        %dma_wait3A_377 = arith.constant 0 : i32
        %dma_wait3A_378 = arith.constant 0 : i32
        %dma_wait3A_379 = tpu.memref_slice %arg4[%add3A_367, %dma_wait3A_377, %dma_wait3A_378] : memref<4096x200x64xf32, #tpu.memory_space<hbm>> -> memref<4x200x64xf32, #tpu.memory_space<hbm>>
        tpu.wait_dma2 semaphore(%run_scoped3A : memref<!tpu.dma_semaphore, #tpu.memory_space<semaphore_mem>>) src(%arg7 : memref<4x200x64xf32, #tpu.memory_space<vmem>>) dst(%dma_wait3A_379 : memref<4x200x64xf32, #tpu.memory_space<hbm>>)
        tpu.yield
      }) : () -> ()
    }
    %scan3A_86 = arith.constant 16 : i32
    %dma_wait3A = arith.constant 0 : i32
    %dma_wait3A_87 = arith.constant 0 : i32
    %dma_wait3A_88 = arith.constant 0 : i32
    %dma_wait3A_89 = tpu.memref_slice %arg4[%dma_wait3A, %dma_wait3A_87, %dma_wait3A_88] : memref<4096x200x64xf32, #tpu.memory_space<hbm>> -> memref<4x200x64xf32, #tpu.memory_space<hbm>>
    %dma_wait3A_90 = arith.constant 0 : i32
    %dma_wait3A_91 = arith.constant 0 : i32
    %dma_wait3A_92 = arith.constant 0 : i32
    %dma_wait3A_93 = tpu.memref_slice %arg4[%dma_wait3A_90, %dma_wait3A_91, %dma_wait3A_92] : memref<4096x200x64xf32, #tpu.memory_space<hbm>> -> memref<4x200x64xf32, #tpu.memory_space<hbm>>
    tpu.wait_dma2 semaphore(%arg8 : memref<!tpu.dma_semaphore, #tpu.memory_space<semaphore_mem>>) src(%dma_wait3A_93 : memref<4x200x64xf32, #tpu.memory_space<hbm>>) dst(%arg6 : memref<4x200x64xf32, #tpu.memory_space<vmem>>)
    return
  }
}

</mosaic_0001>

<sc_bundles>
// kernel: kernel.3.cloned.1.call-start
scs
__scs_entry_jumppad:
0x0: {  	(pc) =	sbr.rel $0x88, $3  }
0x1: {  	(tag) =	ssettag $0x0;
	lr =	simm.s32 $0x1  }
0x2: {  	[smem:$0x3F9F] =	sst lr;
	_ =	strace $0xD0000000  }
0x3: {  	_ = 	snop  }
0x4: {  	_ = 	snop  }
0x5: {  	_ = 	snop  }
0x6: {  	_ = 	snop  }
0x7: {  	_ = 	snop  }
__scs_overlays_trampoline_lowered:
0x8: {  	[smem:$0x3FAE] =	sst s0  }
0x9: {  	[smem:$0x3FAF] =	sst s1  }
0xa: {  	[smem:$0x3FB0] =	sst s2  }
0xb: {  	[smem:$0x3FB1] =	sst s3  }
0xc: {  	[smem:$0x3FB2] =	sst s4  }
0xd: {  	[smem:$0x3FB3] =	sst s5  }
0xe: {  	[smem:$0x3FB4] =	sst s6  }
0xf: {  	[smem:$0x3FB5] =	sst s7  }
0x10: {  	[smem:$0x3FB6] =	sst s8  }
0x11: {  	[smem:$0x3FB7] =	sst s9;
	s0 =	simm.s32 @!p0 $0x0  }
0x12: {  	s1 =	sld [smem:$0x3F9D];
	s0 =	simm.s32 @p0 $0x1  }
0x13: {  	[smem:$0x3FB8] =	sst s0;
	s0 =	simm.s32 @!p1 $0x0  }
0x14: {  	s2 =	sld [smem:$0x3F9C];
	s0 =	simm.s32 @p1 $0x1  }
0x15: {  	[smem:$0x3FB9] =	sst s0;
	s0 =	simm.s32 @!p2 $0x0  }
0x16: {  	s3 =	sld [smem:$0x3FDB];
	s0 =	simm.s32 @p2 $0x1  }
0x17: {  	s4 =	simm.s32 $0x1BF5;
	[smem:$0x3FBB] =	sst s0  }
0x18: {  	s0 =	sld [smem:$0x3F9E];
	_ =	swait.ge [sflag:s4], $0x0  }
0x19: {  	s7 =	sld [smem:$0x3F9F]  }
0x1a: {  	s8 =	sadd.s32 $0xFFFFE003, lr  }
0x1b: {  	s9 =	sadd.s32 $0xFFFFFEF7, lr;
	s5 =	simm.s32 $0xFFFFFFFF;
	p2 =	slt.u32 s8, $0xFFFFF086  }
0x1c: {  	p1 =	slt.u32 s9, $0xF7A;
	s5 =	simm.s32 @!p2 $0x0  }
0x1d: {  	s5 =	simm.s32 @p1 $0x1;
	p0 =	seq.s32 s7, s2  }
0x1e: {  	s7 =	smul.u32 @!p0 $0xF7A, s2;
	p2 =	seq.s32 @!p0 s5, $0x0  }
0x1f: {  	s9 =	smul.u32 $0xF7A, s1;
	s8 =	simm.s32 @!p0 $0x1BF5;
	p2 =	por !p2, p0  }
0x20: {  	[sflag:s8] =	ssyncset.s32 @!p0 $0xFFFFF086;
	s6 =	sadd.s32 @!p0 s3, s7;
	s7 =	simm.s32 @!p0 $0x108  }
0x21: {  	s3 =	sadd.s32 s3, s9;
	s6 =	sadd.s32 @!p0 $0x88, s6;
	s7 =	simm.s32 @p2 $0x1082  }
0x22: {  	[simem:s7], [sflag:s8] =	dma.local @!p0 [hbm:s6], $0xF7A  }
0x23: {  	s9 =	sor.u32 $0xD0000000, s2;
	s6 =	simm.s32 $0x108;
	_ =	swait.ge @!p0 [sflag:s8], $0x0  }
0x24: {  	s3 =	sadd.s32 $0x88, s3;
	s6 =	simm.s32 @!p1 $0x1082;
	[sflag:s4] =	ssyncset.s32 $0xFFFFF086  }
0x25: {  	[simem:s6], [sflag:s4] =	dma.local [hbm:s3], $0xF7A  }
0x26: {  	[smem:$0x3F9F] =	sst s1;
	(tag) =	ssettag s2;
	_ =	strace s9  }
0x27: {  	s1 =	sld [smem:$0x3FAF]  }
0x28: {  	s2 =	sld [smem:$0x3FB0]  }
0x29: {  	s4 =	sld [smem:$0x3FB2]  }
0x2a: {  	p0 =	seq.s32 s5, $0x0;
	s5 =	sld [smem:$0x3FB3]  }
0x2b: {  	s6 =	sld [smem:$0x3FB4]  }
0x2c: {  	s7 =	sld [smem:$0x3FB5]  }
0x2d: {  	s3 =	simm.s32 $0x108;
	s8 =	sld [smem:$0x3FB6]  }
0x2e: {  	s3 =	simm.s32 @!p0 $0x1082;
	s9 =	sld [smem:$0x3FB7]  }
0x2f: {  	lr =	sadd.s32 s0, s3;
	s0 =	sld [smem:$0x3FAE]  }
0x30: {  	s3 =	sld [smem:$0x3FB1]  }
0x31: {  	[smem:$0x3FBA] =	sst s10  }
0x32: {  	s10 =	sld [smem:$0x3FB8];
	_ =	sdelay $0x3  }
0x33: {  	p0 =	seq.s32 s10, $0x1;
	s10 =	sld [smem:$0x3FBA];
	_ =	sdelay $0x3  }
0x34: {  	[smem:$0x3FBA] =	sst s10  }
0x35: {  	s10 =	sld [smem:$0x3FB9];
	_ =	sdelay $0x3  }
0x36: {  	p1 =	seq.s32 s10, $0x1;
	s10 =	sld [smem:$0x3FBA];
	_ =	sdelay $0x3  }
0x37: {  	[smem:$0x3FBA] =	sst s10  }
0x38: {  	s10 =	sld [smem:$0x3FBB]  }
0x39: {  	_ = 	snop;
	(pc) =	sbr.ind lr, $3  }
0x3a: {  	_ = 	snop  }
0x3b: {  	_ = 	snop  }
0x3c: {  	p2 =	seq.s32 s10, $0x1;
	s10 =	sld [smem:$0x3FBA]  }
0x3d: {  	_ =	shalt  }
0x3e: {  	_ =	shalt  }
0x3f: {  	_ =	shalt  }
0x40: {  	_ =	shalt  }
0x41: {  	_ =	shalt  }
0x42: {  	_ =	shalt  }
0x43: {  	_ =	shalt  }
0x44: {  	_ =	shalt  }
0x45: {  	_ =	shalt  }
0x46: {  	_ =	shalt  }
0x47: {  	_ =	shalt  }
0x48: {  	_ =	shalt  }
0x49: {  	_ =	shalt  }
0x4a: {  	_ =	shalt  }
0x4b: {  	_ =	shalt  }
0x4c: {  	_ =	shalt  }
0x4d: {  	_ =	shalt  }
0x4e: {  	_ =	shalt  }
0x4f: {  	_ =	shalt  }
0x50: {  	_ =	shalt  }
0x51: {  	_ =	shalt  }
0x52: {  	_ =	shalt  }
0x53: {  	_ =	shalt  }
0x54: {  	_ =	shalt  }
0x55: {  	_ =	shalt  }
0x56: {  	_ =	shalt  }
0x57: {  	_ =	shalt  }
0x58: {  	_ =	shalt  }
0x59: {  	_ =	shalt  }
0x5a: {  	_ =	shalt  }
0x5b: {  	_ =	shalt  }
0x5c: {  	_ =	shalt  }
0x5d: {  	_ =	shalt  }
0x5e: {  	_ =	shalt  }
0x5f: {  	_ =	shalt  }
0x60: {  	_ =	shalt  }
0x61: {  	_ =	shalt  }
0x62: {  	_ =	shalt  }
0x63: {  	_ =	shalt  }
0x64: {  	_ =	shalt  }
0x65: {  	_ =	shalt  }
0x66: {  	_ =	shalt  }
0x67: {  	_ =	shalt  }
0x68: {  	_ =	shalt  }
0x69: {  	_ =	shalt  }
0x6a: {  	_ =	shalt  }
0x6b: {  	_ =	shalt  }
0x6c: {  	_ =	shalt  }
0x6d: {  	_ =	shalt  }
0x6e: {  	_ =	shalt  }
0x6f: {  	_ =	shalt  }
0x70: {  	_ =	shalt  }
0x71: {  	_ =	shalt  }
0x72: {  	_ =	shalt  }
0x73: {  	_ =	shalt  }
0x74: {  	_ =	shalt  }
0x75: {  	_ =	shalt  }
0x76: {  	_ =	shalt  }
0x77: {  	_ =	shalt  }
0x78: {  	_ =	shalt  }
0x79: {  	_ =	shalt  }
0x7a: {  	_ =	shalt  }
0x7b: {  	_ =	shalt  }
0x7c: {  	_ =	shalt  }
0x7d: {  	_ =	shalt  }
0x7e: {  	_ =	shalt  }
0x7f: {  	_ =	shalt  }
0x80: {  	_ =	shalt  }
0x81: {  	_ =	shalt  }
0x82: {  	_ =	shalt  }
0x83: {  	_ =	shalt  }
0x84: {  	_ =	shalt  }
0x85: {  	_ =	shalt  }
0x86: {  	_ =	shalt  }
0x87: {  	_ =	shalt  }
.Lfunc_end0:
.L_simem_size_0:
called_computation.1_lowered:
.L_overlay_start_0:
0x88: {  	s2 =	sld [smem:$0x3FD9]  }
0x89: {  	s3 =	sld [smem:$0x3FFE];
	_ =	sdelay $0x1  }
0x8a: {  	s1 =	srdreg.scid  }
0x8b: {  	s0 =	sand.u32 $0x1, s1  }
0x8c: {  	s17 =	sshll.u32 s0, $0xA;
	s2 =	sadd.s32 s3, s2  }
0x8d: {  	s2 =	sadd.s32 s2, s17  }
0x8e: {  	[smem:$0x3FC6] =	sst s2  }
0x8f: {  	_ = 	snop  }
0x90: {  	s2 =	sld [smem:$0x3FD0];
	(tm) =	ssettm $0x1  }
0x91: {  	s18 =	sld [smem:$0x3FFB];
	_ =	sdelay $0x3  }
0x92: {  	_ =	strace s18  }
0x93: {  	s3 =	sld [smem:$0x3FFC];
	_ =	sdelay $0x3  }
0x94: {  	_ =	strace s3  }
0x95: {  	s3 =	sld [smem:$0x3FFD];
	_ =	sdelay $0x3  }
0x96: {  	_ =	strace s3  }
0x97: {  	_ =	strace $0x8FFFFFFF  }
0x98: {  	s19 =	sld [smem:$0x3FDB];
	_ =	sdelay $0x1  }
0x99: {  	s4 =	simm.s32 $_scs_section_size  }
0x9a: {  	s5 =	simm.s32 $_size__tile_overlayer_lowered;
	s6 =	simm.s32 $_tile_overlayer_lowered  }
0x9b: {  	s22 =	simm.s32 $0x1BFF;
	s21 =	sshll.u32 s6, $0x1;
	s3 =	sadd.s32 s4, s19  }
0x9c: {  	s7 =	simm.s32 $0x0;
	s20 =	sshll.u32 s5, $0x1;
	s5 =	sadd.s32 s21, s3  }
0x9d: {  	[timem:s7], [sflag:s22] =	dma.local [hbm:s5], s20  }
0x9e: {  	_ =	swait.ge [sflag:s22], s20  }
0x9f: {  	s4 =	ssub.s32 $0x0, s20;
	[sflag:s22] =	ssyncset.done $0x0  }
0xa0: {  	[sflag:s22] =	ssyncadd.s32 s4;
	_ =	sdelay $0x1  }
0xa1: {  	s23 =	simm.s32 $0x1B8B  }
0xa2: {  	_ =	swait.ge [sflag:s23], $0x1  }
0xa3: {  	[sflag:s23] =	ssyncset.done $0x0  }
0xa4: {  	s25 =	simm.s32 $0x1B8E;
	s24 =	sld [smem:$0x3FFE];
	[sflag:s23] =	ssyncadd.s32 $0xFFFFFFFF  }
0xa5: {  	s26 =	simm.s32 $execute0_lowered;
	[smem:$0x3FD2] =	sst s25  }
0xa6: {  	s5 =	sshll.u32 s26, $0x1;
	_ =	strace $0x80000046;
	[dreg:$0x1] =	wrdreg $0xFFFFFFFF  }
0xa7: {  	s28 =	simm.s32 $_size_execute0_lowered;
	s3 =	sadd.s32 s3, s5;
	[dreg:$0x0] =	wrdreg $0x0  }
0xa8: {  	s5 =	sshll.u32 s28, $0x1;
	[dreg:$0x2] =	wrdreg s3  }
0xa9: {  	[dreg:$0x3] =	wrdreg s5  }
0xaa: {  	[dreg:$0x4] =	wrdreg $0xC0  }
0xab: {  	_ =	task [dreg:s7], $0x5FFFF  }
0xac: {  	[dreg:$0x1] =	wrdreg $0xFFFFFFFF  }
0xad: {  	[dreg:$0x0] =	wrdreg $0x60  }
0xae: {  	[dreg:$0x2] =	wrdreg s24  }
0xaf: {  	[dreg:$0x3] =	wrdreg s2  }
0xb0: {  	[dreg:$0x4] =	wrdreg $0x9  }
0xb1: {  	_ =	task.clear_ibuf [dreg:s7], $0x5FFFF;
	_ =	strace $0x90000046  }
0xb2: {  	s29 =	simm.s32 $0x9;
	_ =	strace $0x80000048  }
0xb3: {  	_ =	swait.ge [sflag:s29], $0x1  }
0xb4: {  	[sflag:s29] =	ssyncadd.s32 $0xFFFFFFFF  }
0xb5: {  	_ =	strace $0x90000048  }
0xb6: {  	_ =	sfence  }
0xb7: {  	s30 =	sld [smem:$0x0];
	_ =	sdelay $0x2  }
0xb8: {  	s31 =	sshll.u32 s1, $0xD;
	s1 =	sshrl.u32 s1, $0x2  }
0xb9: {  	s3 =	sand.u32 $0x4000, s31;
	s1 =	sadd.s32 s1, s30  }
0xba: {  	s0 =	sor.u32 s3, s0;
	s1 =	sshll.u32 s1, $0x11  }
0xbb: {  	s0 =	sor.u32 s1, s0  }
0xbc: {  	s0 =	sadd.s32 $0x8F2B, s0  }
0xbd: {  	[sflag:s0] =	ssyncadd.remote.s32 $0x1  }
0xbe: {  	_ =	sfence.sel $0xFFFF  }
0xbf: {  	[dreg:$0x0] =	wrdreg $0xFFFFFFFF;
	(pc) =	sbr.abs _section_cstart, $3  }
0xc0: {  	[dreg:$0x1] =	wrdreg $0xFFFFFFFF  }
0xc1: {  	_ =	task.clear_ibuf [dreg:s7], $0x2FFFF;
	_ =	strace $0x9FFFFFFF  }
0xc2: {  	(tm) =	ssettm $0x7FFFFFFF  }
0xc3: {  	_ =	shalt  }
tec
execute0_lowered:
.L_overlay_start_1:
0x0: {  	(tag) =	ssettag $0x1  }
0x1: {  	s0 =	rddreg [dreg:$0x0]  }
0x2: {  	s1 =	rddreg [dreg:$0x1]  }
0x3: {  	s3 =	srdreg.scid;
	s8 =	stileid.u32  }
0x4: {  	s2 =	simm.s32 $0x0;
	s9 =	simm.s32 $0x3;
	s10 =	simm.s32 $0x80  }
0x5: {  	s11 =	simm.s32 $0x6400;
	s12 =	simm.s32 $0x48;
	s13 =	simm.s32 $0x8400  }
0x6: {  	s15 =	simm.s32 $0x9600;
	s17 =	simm.s32 $0xB600;
	s19 =	simm.s32 $0xC800  }
0x7: {  	s21 =	simm.s32 $0xE800;
	s28 =	simm.s32 $0x14C00;
	s29 =	simm.s32 $0x15E00  }
0x8: {  	s30 =	simm.s32 $0x17E00;
	s31 =	simm.s32 $0x19000;
	s14 =	simm.s32 $0x1E200  }
0x9: {  	s16 =	simm.s32 $0x1;
	s4 =	sand.u32 $0x1, s3;
	s22 =	sshll.u32 s8, $0x1  }
0xa: {  	s18 =	simm.s32 $0x2;
	s8 =	smul.u32 $0x64000, s8;
	s5 =	sor.u32 s4, s22  }
0xb: {  	[smem:$0x7FF] =	sst s2;
	s3 =	sadd.s32 $0xF42E00, s0;
	s6 =	smul.u32 $0xC80, s5  }
0xc: {  	_ =	strace $0x80000047;
	s7 =	ssub.s32 $0x2, s4;
	s24 =	smul.u32 $0x32000, s4  }
0xd: {  	s5 =	smul.u32 $0x32000, s5;
	s23 =	sshrl.u32 s7, $0x1;
	s0 =	sadd.s32 s6, s0  }
0xe: {  	s22 =	simm.s32 $0x6338;
	s6 =	ssub.s32 s7, s23;
	s0 =	sadd.s32 $0xA00, s0  }
0xf: {  	s26 =	sadd.s32 s1, s5;
	s25 =	smax.u32 s6, $0x1;
	[dreg:$0x3] =	wrdreg s0  }
0x10: {  	s1 =	sadd.s32 s8, s1;
	s5 =	sadd.s32 $0x2EE00, s26;
	[dreg:$0x4] =	wrdreg s25  }
0x11: {  	s23 =	simm.s32 $0xFA00;
	s4 =	sadd.s32 $0x30700, s26;
	[dreg:$0x5] =	wrdreg s5  }
0x12: {  	s8 =	simm.s32 $0x62F0;
	s26 =	simm.s32 $0x12C00;
	[dreg:$0x6] =	wrdreg s4  }
0x13: {  	s0 =	sadd.s32 s24, s1;
	s25 =	simm.s32 $0x11A00;
	s1 =	simm.s32 $0x1C200  }
0x14: {  	s5 =	simm.s32 $0x0;
	[dreg:$0x7] =	wrdreg s0;
	s0 =	simm.s32 $0x1B000  }
.LBB2_1:
0x15: {  	[dreg:$0x8] =	wrdreg s5  }
0x16: {  	s4 =	rddreg [dreg:$0x3]  }
0x17: {  	[tilespmem:s2], [sflag:$0x3] =	stream.linear.gather [hbm4b:s4+s2], $0x6400, $0x38;
	[tilespmem:$0x1F400] =	vst v63  }
0x18: {  	_ =	swait.ge [sflag:s9], $0x6400  }
0x19: {  	[sflag:s9] =	ssyncset.done $0x0  }
0x1a: {  	[sflag:s9] =	ssyncadd.s32 $0xFFFF9C00  }
0x1b: {  	[tilespmem:s11], [sflag:$0x1] =	stream.indirect.gather [hbm4b:s3+s10], $0x40, s2, s10, $0xb8;
	[tilespmem:$0x1F400] =	vst v63  }
0x1c: {  	_ = 	snop  }
0x1d: {  	[tilespmem:s13], [sflag:$0x1] =	stream.indirect.gather [hbm4b:s3+s12], $0x40, s10, s12, $0xb8;
	[tilespmem:$0x1F400] =	vst v63  }
0x1e: {  	s5 =	simm.s32 $0xC8  }
0x1f: {  	[tilespmem:s15], [sflag:$0x1] =	stream.indirect.gather [hbm4b:s3+s10], $0x40, s5, s10, $0xb8;
	[tilespmem:$0x1F400] =	vst v63  }
0x20: {  	s6 =	simm.s32 $0x148  }
0x21: {  	[tilespmem:s17], [sflag:$0x1] =	stream.indirect.gather [hbm4b:s3+s12], $0x40, s6, s12, $0xb8;
	[tilespmem:$0x1F400] =	vst v63  }
0x22: {  	s7 =	simm.s32 $0x190  }
0x23: {  	[tilespmem:s19], [sflag:$0x1] =	stream.indirect.gather [hbm4b:s3+s10], $0x40, s7, s10, $0xb8;
	[tilespmem:$0x1F400] =	vst v63  }
0x24: {  	s20 =	simm.s32 $0x210  }
0x25: {  	[tilespmem:s21], [sflag:$0x1] =	stream.indirect.gather [hbm4b:s3+s12], $0x40, s20, s12, $0xb8;
	[tilespmem:$0x1F400] =	vst v63  }
0x26: {  	s24 =	simm.s32 $0x258  }
0x27: {  	[tilespmem:s23], [sflag:$0x1] =	stream.indirect.gather [hbm4b:s3+s10], $0x40, s24, s10, $0xb8;
	[tilespmem:$0x1F400] =	vst v63  }
0x28: {  	s5 =	simm.s32 $0x2D8  }
0x29: {  	[tilespmem:s25], [sflag:$0x1] =	stream.indirect.gather [hbm4b:s3+s12], $0x40, s5, s12, $0xb8;
	[tilespmem:$0x1F400] =	vst v63  }
0x2a: {  	s6 =	simm.s32 $0x320  }
0x2b: {  	[tilespmem:s26], [sflag:$0x2] =	stream.indirect.gather [hbm4b:s3+s10], $0x40, s6, s10, $0xb8;
	[tilespmem:$0x1F400] =	vst v63  }
0x2c: {  	s7 =	simm.s32 $0x3A0  }
0x2d: {  	[tilespmem:s28], [sflag:$0x2] =	stream.indirect.gather [hbm4b:s3+s12], $0x40, s7, s12, $0xb8;
	[tilespmem:$0x1F400] =	vst v63  }
0x2e: {  	s20 =	simm.s32 $0x3E8  }
0x2f: {  	[tilespmem:s29], [sflag:$0x2] =	stream.indirect.gather [hbm4b:s3+s10], $0x40, s20, s10, $0xb8;
	[tilespmem:$0x1F400] =	vst v63  }
0x30: {  	s24 =	simm.s32 $0x468  }
0x31: {  	[tilespmem:s30], [sflag:$0x2] =	stream.indirect.gather [hbm4b:s3+s12], $0x40, s24, s12, $0xb8;
	[tilespmem:$0x1F400] =	vst v63  }
0x32: {  	s5 =	simm.s32 $0x4B0  }
0x33: {  	[tilespmem:s31], [sflag:$0x2] =	stream.indirect.gather [hbm4b:s3+s10], $0x40, s5, s10, $0xb8;
	[tilespmem:$0x1F400] =	vst v63  }
0x34: {  	s6 =	simm.s32 $0x530  }
0x35: {  	[tilespmem:s0], [sflag:$0x2] =	stream.indirect.gather [hbm4b:s3+s12], $0x40, s6, s12, $0xb8;
	[tilespmem:$0x1F400] =	vst v63  }
0x36: {  	s7 =	simm.s32 $0x578  }
0x37: {  	[tilespmem:s1], [sflag:$0x2] =	stream.indirect.gather [hbm4b:s3+s10], $0x40, s7, s10, $0xb8;
	[tilespmem:$0x1F400] =	vst v63  }
0x38: {  	s20 =	simm.s32 $0x5F8  }
0x39: {  	[tilespmem:s14], [sflag:$0x2] =	stream.indirect.gather [hbm4b:s3+s12], $0x40, s20, s12, $0xb8;
	[tilespmem:$0x1F400] =	vst v63  }
0x3a: {  	_ =	swait.ge [sflag:s16], $0xC800  }
0x3b: {  	[sflag:s16] =	ssyncset.done $0x0  }
0x3c: {  	s6 =	rddreg [dreg:$0x7];
	[sflag:s16] =	ssyncadd.s32 $0xFFFF3800  }
0x3d: {  	[hbm4b:s6+s2] =	stream.linear.scatter [tilespmem:s11], [sflag:$0x3], $0xC800, $0x38;
	[tilespmem:$0x1F400] =	vst v63  }
0x3e: {  	_ =	swait.ge [sflag:s9], $0xC800  }
0x3f: {  	[sflag:s9] =	ssyncset.done $0x0  }
0x40: {  	s24 =	simm.s32 $0x640;
	[sflag:s9] =	ssyncadd.s32 $0xFFFF3800  }
0x41: {  	[tilespmem:s11], [sflag:$0x1] =	stream.indirect.gather [hbm4b:s3+s10], $0x40, s24, s10, $0xb8;
	[tilespmem:$0x1F400] =	vst v63  }
0x42: {  	s5 =	simm.s32 $0x6C0  }
0x43: {  	[tilespmem:s13], [sflag:$0x1] =	stream.indirect.gather [hbm4b:s3+s12], $0x40, s5, s12, $0xb8;
	[tilespmem:$0x1F400] =	vst v63  }
0x44: {  	s7 =	simm.s32 $0x708  }
0x45: {  	[tilespmem:s15], [sflag:$0x1] =	stream.indirect.gather [hbm4b:s3+s10], $0x40, s7, s10, $0xb8;
	[tilespmem:$0x1F400] =	vst v63  }
0x46: {  	s20 =	simm.s32 $0x788  }
0x47: {  	[tilespmem:s17], [sflag:$0x1] =	stream.indirect.gather [hbm4b:s3+s12], $0x40, s20, s12, $0xb8;
	[tilespmem:$0x1F400] =	vst v63  }
0x48: {  	s24 =	simm.s32 $0x7D0  }
0x49: {  	[tilespmem:s19], [sflag:$0x1] =	stream.indirect.gather [hbm4b:s3+s10], $0x40, s24, s10, $0xb8;
	[tilespmem:$0x1F400] =	vst v63  }
0x4a: {  	s5 =	simm.s32 $0x850  }
0x4b: {  	[tilespmem:s21], [sflag:$0x1] =	stream.indirect.gather [hbm4b:s3+s12], $0x40, s5, s12, $0xb8;
	[tilespmem:$0x1F400] =	vst v63  }
0x4c: {  	s7 =	simm.s32 $0x898  }
0x4d: {  	[tilespmem:s23], [sflag:$0x1] =	stream.indirect.gather [hbm4b:s3+s10], $0x40, s7, s10, $0xb8;
	[tilespmem:$0x1F400] =	vst v63  }
0x4e: {  	s20 =	simm.s32 $0x918  }
0x4f: {  	[tilespmem:s25], [sflag:$0x1] =	stream.indirect.gather [hbm4b:s3+s12], $0x40, s20, s12, $0xb8;
	[tilespmem:$0x1F400] =	vst v63  }
0x50: {  	_ =	swait.ge [sflag:s18], $0xC800  }
0x51: {  	[sflag:s18] =	ssyncset.done $0x0  }
0x52: {  	s24 =	sadd.s32 $0x1900, s6;
	[sflag:s18] =	ssyncadd.s32 $0xFFFF3800  }
0x53: {  	[hbm4b:s24+s2] =	stream.linear.scatter [tilespmem:s26], [sflag:$0x3], $0xC800, $0x38;
	[tilespmem:$0x1F400] =	vst v63  }
0x54: {  	s4 =	simm.s32 $0x640;
	_ =	swait.ge [sflag:s9], $0xC800  }
0x55: {  	s5 =	simm.s32 $0x3200;
	s24 =	sadd.s32 $0x3200, s6;
	[sflag:s9] =	ssyncset.done $0x0  }
.LBB2_2:
0x56: {  	s20 =	sadd.s32 $0x320, s4  }
0x57: {  	[sflag:s9] =	ssyncadd.s32 $0xFFFF3800;
	s6 =	smov.u32 s5;
	s7 =	sadd.s32 $0x1900, s5  }
0x58: {  	[tilespmem:s26], [sflag:$0x2] =	stream.indirect.gather [hbm4b:s3+s10], $0x40, s20, s10, $0xb8;
	[tilespmem:$0x1F400] =	vst v63  }
0x59: {  	p0 =	sne.s32 s5, $0x15E00;
	s5 =	sadd.s32 $0x3A0, s4  }
0x5a: {  	[tilespmem:s28], [sflag:$0x2] =	stream.indirect.gather [hbm4b:s3+s12], $0x40, s5, s12, $0xb8;
	[tilespmem:$0x1F400] =	vst v63  }
0x5b: {  	s5 =	sadd.s32 $0x3E8, s4  }
0x5c: {  	[tilespmem:s29], [sflag:$0x2] =	stream.indirect.gather [hbm4b:s3+s10], $0x40, s5, s10, $0xb8;
	[tilespmem:$0x1F400] =	vst v63  }
0x5d: {  	s5 =	sadd.s32 $0x468, s4  }
0x5e: {  	[tilespmem:s30], [sflag:$0x2] =	stream.indirect.gather [hbm4b:s3+s12], $0x40, s5, s12, $0xb8;
	[tilespmem:$0x1F400] =	vst v63  }
0x5f: {  	s5 =	sadd.s32 $0x4B0, s4  }
0x60: {  	[tilespmem:s31], [sflag:$0x2] =	stream.indirect.gather [hbm4b:s3+s10], $0x40, s5, s10, $0xb8;
	[tilespmem:$0x1F400] =	vst v63  }
0x61: {  	s5 =	sadd.s32 $0x530, s4  }
0x62: {  	[tilespmem:s0], [sflag:$0x2] =	stream.indirect.gather [hbm4b:s3+s12], $0x40, s5, s12, $0xb8;
	[tilespmem:$0x1F400] =	vst v63  }
0x63: {  	s5 =	sadd.s32 $0x578, s4  }
0x64: {  	[tilespmem:s1], [sflag:$0x2] =	stream.indirect.gather [hbm4b:s3+s10], $0x40, s5, s10, $0xb8;
	[tilespmem:$0x1F400] =	vst v63  }
0x65: {  	s5 =	sadd.s32 $0x5F8, s4  }
0x66: {  	[tilespmem:s14], [sflag:$0x2] =	stream.indirect.gather [hbm4b:s3+s12], $0x40, s5, s12, $0xb8;
	[tilespmem:$0x1F400] =	vst v63  }
0x67: {  	_ =	swait.ge [sflag:s16], $0xC800  }
0x68: {  	[sflag:s16] =	ssyncset.done $0x0  }
0x69: {  	[sflag:s16] =	ssyncadd.s32 $0xFFFF3800  }
0x6a: {  	[hbm4b:s24+s2] =	stream.linear.scatter [tilespmem:s11], [sflag:$0x3], $0xC800, $0x38;
	[tilespmem:$0x1F400] =	vst v63  }
0x6b: {  	_ =	swait.ge [sflag:s9], $0xC800  }
0x6c: {  	[sflag:s9] =	ssyncset.done $0x0  }
0x6d: {  	s5 =	sadd.s32 $0x640, s4;
	[sflag:s9] =	ssyncadd.s32 $0xFFFF3800  }
0x6e: {  	[tilespmem:s11], [sflag:$0x1] =	stream.indirect.gather [hbm4b:s3+s10], $0x40, s5, s10, $0xb8;
	[tilespmem:$0x1F400] =	vst v63  }
0x6f: {  	s5 =	sadd.s32 $0x6C0, s4  }
0x70: {  	[tilespmem:s13], [sflag:$0x1] =	stream.indirect.gather [hbm4b:s3+s12], $0x40, s5, s12, $0xb8;
	[tilespmem:$0x1F400] =	vst v63  }
0x71: {  	s5 =	sadd.s32 $0x708, s4  }
0x72: {  	[tilespmem:s15], [sflag:$0x1] =	stream.indirect.gather [hbm4b:s3+s10], $0x40, s5, s10, $0xb8;
	[tilespmem:$0x1F400] =	vst v63  }
0x73: {  	s5 =	sadd.s32 $0x788, s4  }
0x74: {  	[tilespmem:s17], [sflag:$0x1] =	stream.indirect.gather [hbm4b:s3+s12], $0x40, s5, s12, $0xb8;
	[tilespmem:$0x1F400] =	vst v63  }
0x75: {  	s5 =	sadd.s32 $0x7D0, s4  }
0x76: {  	[tilespmem:s19], [sflag:$0x1] =	stream.indirect.gather [hbm4b:s3+s10], $0x40, s5, s10, $0xb8;
	[tilespmem:$0x1F400] =	vst v63  }
0x77: {  	s5 =	sadd.s32 $0x850, s4  }
0x78: {  	[tilespmem:s21], [sflag:$0x1] =	stream.indirect.gather [hbm4b:s3+s12], $0x40, s5, s12, $0xb8;
	[tilespmem:$0x1F400] =	vst v63  }
0x79: {  	s5 =	sadd.s32 $0x898, s4  }
0x7a: {  	[tilespmem:s23], [sflag:$0x1] =	stream.indirect.gather [hbm4b:s3+s10], $0x40, s5, s10, $0xb8;
	[tilespmem:$0x1F400] =	vst v63  }
0x7b: {  	s4 =	sadd.s32 $0x918, s4  }
0x7c: {  	[tilespmem:s25], [sflag:$0x1] =	stream.indirect.gather [hbm4b:s3+s12], $0x40, s4, s12, $0xb8;
	[tilespmem:$0x1F400] =	vst v63  }
0x7d: {  	_ =	swait.ge [sflag:s18], $0xC800  }
.Ltmp0:
0x7e: {  	[sflag:s18] =	ssyncset.done $0x0;
	(pc) =	sbr.rel @p0 .LBB2_2-.Ltmp0, $4  }
0x7f: {  	s4 =	sadd.s32 $0x1900, s24;
	[sflag:s18] =	ssyncadd.s32 $0xFFFF3800  }
0x80: {  	[hbm4b:s4+s2] =	stream.linear.scatter [tilespmem:s26], [sflag:$0x3], $0xC800, $0x38;
	[tilespmem:$0x1F400] =	vst v63  }
0x81: {  	s5 =	smov.u32 s7;
	_ =	swait.ge [sflag:s9], $0xC800  }
0x82: {  	s24 =	sadd.s32 $0x3200, s24;
	s4 =	sshra.s32 s6, $0x2;
	[sflag:s9] =	ssyncset.done $0x0  }
0x83: {  	s5 =	sadd.s32 $0x320, s4;
	[sflag:s9] =	ssyncadd.s32 $0xFFFF3800  }
0x84: {  	[tilespmem:s26], [sflag:$0x2] =	stream.indirect.gather [hbm4b:s3+s10], $0x40, s5, s10, $0xb8;
	[tilespmem:$0x1F400] =	vst v63  }
0x85: {  	s6 =	sadd.s32 $0x3A0, s4  }
0x86: {  	[tilespmem:s28], [sflag:$0x2] =	stream.indirect.gather [hbm4b:s3+s12], $0x40, s6, s12, $0xb8;
	[tilespmem:$0x1F400] =	vst v63  }
0x87: {  	s7 =	sadd.s32 $0x3E8, s4  }
0x88: {  	[tilespmem:s29], [sflag:$0x2] =	stream.indirect.gather [hbm4b:s3+s10], $0x40, s7, s10, $0xb8;
	[tilespmem:$0x1F400] =	vst v63  }
0x89: {  	s20 =	sadd.s32 $0x468, s4  }
0x8a: {  	[tilespmem:s30], [sflag:$0x2] =	stream.indirect.gather [hbm4b:s3+s12], $0x40, s20, s12, $0xb8;
	[tilespmem:$0x1F400] =	vst v63  }
0x8b: {  	s6 =	sadd.s32 $0x4B0, s4  }
0x8c: {  	[tilespmem:s31], [sflag:$0x2] =	stream.indirect.gather [hbm4b:s3+s10], $0x40, s6, s10, $0xb8;
	[tilespmem:$0x1F400] =	vst v63  }
0x8d: {  	s7 =	sadd.s32 $0x530, s4  }
0x8e: {  	[tilespmem:s0], [sflag:$0x2] =	stream.indirect.gather [hbm4b:s3+s12], $0x40, s7, s12, $0xb8;
	[tilespmem:$0x1F400] =	vst v63  }
0x8f: {  	s20 =	sadd.s32 $0x578, s4  }
0x90: {  	[tilespmem:s1], [sflag:$0x2] =	stream.indirect.gather [hbm4b:s3+s10], $0x40, s20, s10, $0xb8;
	[tilespmem:$0x1F400] =	vst v63  }
0x91: {  	s6 =	sadd.s32 $0x5F8, s4  }
0x92: {  	[tilespmem:s14], [sflag:$0x2] =	stream.indirect.gather [hbm4b:s3+s12], $0x40, s6, s12, $0xb8;
	[tilespmem:$0x1F400] =	vst v63  }
0x93: {  	_ =	swait.ge [sflag:s16], $0xC800  }
0x94: {  	[sflag:s16] =	ssyncset.done $0x0  }
0x95: {  	[sflag:s16] =	ssyncadd.s32 $0xFFFF3800  }
0x96: {  	[hbm4b:s24+s2] =	stream.linear.scatter [tilespmem:s11], [sflag:$0x3], $0xC800, $0x38;
	[tilespmem:$0x1F400] =	vst v63  }
0x97: {  	_ =	swait.ge [sflag:s9], $0xC800  }
0x98: {  	[sflag:s9] =	ssyncset.done $0x0  }
0x99: {  	s7 =	sadd.s32 $0x640, s4;
	[sflag:s9] =	ssyncadd.s32 $0xFFFF3800  }
0x9a: {  	[tilespmem:s11], [sflag:$0x1] =	stream.indirect.gather [hbm4b:s3+s10], $0x40, s7, s10, $0xb8;
	[tilespmem:$0x1F400] =	vst v63  }
0x9b: {  	s20 =	sadd.s32 $0x6C0, s4  }
0x9c: {  	[tilespmem:s13], [sflag:$0x1] =	stream.indirect.gather [hbm4b:s3+s12], $0x40, s20, s12, $0xb8;
	[tilespmem:$0x1F400] =	vst v63  }
0x9d: {  	s6 =	sadd.s32 $0x708, s4  }
0x9e: {  	[tilespmem:s15], [sflag:$0x1] =	stream.indirect.gather [hbm4b:s3+s10], $0x40, s6, s10, $0xb8;
	[tilespmem:$0x1F400] =	vst v63  }
0x9f: {  	s7 =	sadd.s32 $0x788, s4  }
0xa0: {  	[tilespmem:s17], [sflag:$0x1] =	stream.indirect.gather [hbm4b:s3+s12], $0x40, s7, s12, $0xb8;
	[tilespmem:$0x1F400] =	vst v63  }
0xa1: {  	s20 =	sadd.s32 $0x7D0, s4  }
0xa2: {  	[tilespmem:s19], [sflag:$0x1] =	stream.indirect.gather [hbm4b:s3+s10], $0x40, s20, s10, $0xb8;
	[tilespmem:$0x1F400] =	vst v63  }
0xa3: {  	s6 =	sadd.s32 $0x850, s4  }
0xa4: {  	[tilespmem:s21], [sflag:$0x1] =	stream.indirect.gather [hbm4b:s3+s12], $0x40, s6, s12, $0xb8;
	[tilespmem:$0x1F400] =	vst v63  }
0xa5: {  	s7 =	sadd.s32 $0x898, s4  }
0xa6: {  	[tilespmem:s23], [sflag:$0x1] =	stream.indirect.gather [hbm4b:s3+s10], $0x40, s7, s10, $0xb8;
	[tilespmem:$0x1F400] =	vst v63  }
0xa7: {  	s20 =	sadd.s32 $0x918, s4  }
0xa8: {  	[tilespmem:s25], [sflag:$0x1] =	stream.indirect.gather [hbm4b:s3+s12], $0x40, s20, s12, $0xb8;
	[tilespmem:$0x1F400] =	vst v63  }
0xa9: {  	_ =	swait.ge [sflag:s18], $0xC800  }
0xaa: {  	[sflag:s18] =	ssyncset.done $0x0  }
0xab: {  	s5 =	sadd.s32 $0x1900, s24;
	[sflag:s18] =	ssyncadd.s32 $0xFFFF3800  }
0xac: {  	[hbm4b:s5+s2] =	stream.linear.scatter [tilespmem:s26], [sflag:$0x3], $0xC800, $0x38;
	[tilespmem:$0x1F400] =	vst v63  }
0xad: {  	_ =	swait.ge [sflag:s9], $0xC800  }
0xae: {  	[sflag:s9] =	ssyncset.done $0x0  }
0xaf: {  	s5 =	simm.s32 $0x60E0;
	[sflag:s9] =	ssyncadd.s32 $0xFFFF3800  }
0xb0: {  	[tilespmem:s26], [sflag:$0x2] =	stream.indirect.gather [hbm4b:s3+s10], $0x40, s5, s10, $0xb8;
	[tilespmem:$0x1F400] =	vst v63  }
0xb1: {  	s6 =	simm.s32 $0x6160  }
0xb2: {  	[tilespmem:s28], [sflag:$0x2] =	stream.indirect.gather [hbm4b:s3+s12], $0x40, s6, s12, $0xb8;
	[tilespmem:$0x1F400] =	vst v63  }
0xb3: {  	s7 =	simm.s32 $0x61A8  }
0xb4: {  	[tilespmem:s29], [sflag:$0x2] =	stream.indirect.gather [hbm4b:s3+s10], $0x40, s7, s10, $0xb8;
	[tilespmem:$0x1F400] =	vst v63  }
0xb5: {  	s20 =	simm.s32 $0x6228  }
0xb6: {  	[tilespmem:s30], [sflag:$0x2] =	stream.indirect.gather [hbm4b:s3+s12], $0x40, s20, s12, $0xb8;
	[tilespmem:$0x1F400] =	vst v63  }
0xb7: {  	s24 =	simm.s32 $0x6270  }
0xb8: {  	[tilespmem:s31], [sflag:$0x2] =	stream.indirect.gather [hbm4b:s3+s10], $0x40, s24, s10, $0xb8;
	[tilespmem:$0x1F400] =	vst v63  }
0xb9: {  	_ = 	snop  }
0xba: {  	[tilespmem:s0], [sflag:$0x2] =	stream.indirect.gather [hbm4b:s3+s12], $0x40, s8, s12, $0xb8;
	[tilespmem:$0x1F400] =	vst v63  }
0xbb: {  	_ = 	snop  }
0xbc: {  	[tilespmem:s1], [sflag:$0x2] =	stream.indirect.gather [hbm4b:s3+s10], $0x40, s22, s10, $0xb8;
	[tilespmem:$0x1F400] =	vst v63  }
0xbd: {  	s4 =	simm.s32 $0x63B8  }
0xbe: {  	[tilespmem:s14], [sflag:$0x2] =	stream.indirect.gather [hbm4b:s3+s12], $0x40, s4, s12, $0xb8;
	[tilespmem:$0x1F400] =	vst v63  }
0xbf: {  	_ =	swait.ge [sflag:s16], $0xC800  }
0xc0: {  	[sflag:s16] =	ssyncset.done $0x0  }
0xc1: {  	s4 =	rddreg [dreg:$0x5];
	[sflag:s16] =	ssyncadd.s32 $0xFFFF3800  }
0xc2: {  	[hbm4b:s4+s2] =	stream.linear.scatter [tilespmem:s11], [sflag:$0x3], $0xC800, $0x38;
	[tilespmem:$0x1F400] =	vst v63  }
0xc3: {  	_ =	swait.ge [sflag:s9], $0xC800  }
0xc4: {  	[sflag:s9] =	ssyncset.done $0x0  }
0xc5: {  	[sflag:s9] =	ssyncadd.s32 $0xFFFF3800  }
0xc6: {  	[tilespmem:s11], [sflag:$0x1] =	stream.indirect.gather [hbm4b:s3+s10], $0x40, s5, s10, $0xb8;
	[tilespmem:$0x1F400] =	vst v63  }
0xc7: {  	_ = 	snop  }
0xc8: {  	[tilespmem:s13], [sflag:$0x1] =	stream.indirect.gather [hbm4b:s3+s12], $0x40, s6, s12, $0xb8;
	[tilespmem:$0x1F400] =	vst v63  }
0xc9: {  	_ = 	snop  }
0xca: {  	[tilespmem:s15], [sflag:$0x1] =	stream.indirect.gather [hbm4b:s3+s10], $0x40, s7, s10, $0xb8;
	[tilespmem:$0x1F400] =	vst v63  }
0xcb: {  	_ = 	snop  }
0xcc: {  	[tilespmem:s17], [sflag:$0x1] =	stream.indirect.gather [hbm4b:s3+s12], $0x40, s20, s12, $0xb8;
	[tilespmem:$0x1F400] =	vst v63  }
0xcd: {  	_ = 	snop  }
0xce: {  	[tilespmem:s19], [sflag:$0x1] =	stream.indirect.gather [hbm4b:s3+s10], $0x40, s24, s10, $0xb8;
	[tilespmem:$0x1F400] =	vst v63  }
0xcf: {  	_ = 	snop  }
0xd0: {  	[tilespmem:s21], [sflag:$0x1] =	stream.indirect.gather [hbm4b:s3+s12], $0x40, s8, s12, $0xb8;
	[tilespmem:$0x1F400] =	vst v63  }
0xd1: {  	_ = 	snop  }
0xd2: {  	[tilespmem:s23], [sflag:$0x1] =	stream.indirect.gather [hbm4b:s3+s10], $0x40, s22, s10, $0xb8;
	[tilespmem:$0x1F400] =	vst v63  }
0xd3: {  	s6 =	simm.s32 $0x63B8  }
0xd4: {  	[tilespmem:s25], [sflag:$0x1] =	stream.indirect.gather [hbm4b:s3+s12], $0x40, s6, s12, $0xb8;
	[tilespmem:$0x1F400] =	vst v63  }
0xd5: {  	_ =	swait.ge [sflag:s18], $0xC800  }
0xd6: {  	[sflag:s18] =	ssyncset.done $0x0  }
0xd7: {  	s7 =	rddreg [dreg:$0x6];
	[sflag:s18] =	ssyncadd.s32 $0xFFFF3800  }
0xd8: {  	[hbm4b:s7+s2] =	stream.linear.scatter [tilespmem:s26], [sflag:$0x3], $0xC800, $0x38;
	[tilespmem:$0x1F400] =	vst v63  }
0xd9: {  	_ =	swait.ge [sflag:s9], $0xC800  }
0xda: {  	[sflag:s9] =	ssyncset.done $0x0  }
0xdb: {  	[sflag:s9] =	ssyncadd.s32 $0xFFFF3800  }
0xdc: {  	_ =	swait.ge [sflag:s16], $0xC800  }
0xdd: {  	s20 =	rddreg [dreg:$0x8]  }
0xde: {  	s24 =	rddreg [dreg:$0x4];
	s5 =	sadd.s32 $0x1, s20  }
0xdf: {  	p0 =	sne.s32 s5, s24  }
.Ltmp1:
0xe0: {  	_ = 	snop;
	(pc) =	sbr.rel @p0 .LBB2_1-.Ltmp1, $3  }
0xe1: {  	_ =	sdelay $0x1  }
0xe2: {  	[sflag:s16] =	ssyncset.done $0x0  }
0xe3: {  	[sflag:s16] =	ssyncadd.s32 $0xFFFF3800  }
0xe4: {  	_ =	sfence.sel $0x180000  }
0xe5: {  	[bflag:$0x0] =	sbarrier.arrive $0xFFFF  }
0xe6: {  	_ =	strace $0x90000047  }
0xe7: {  	s0 =	stileid.u32;
	[bflag:$0x2] =	sbarrier.arrive $0xFFFF  }
0xe8: {  	p0 =	sne.s32 s0, $0x0;
	s0 =	rddreg [dreg:$0x2]  }
0xe9: {  	s0 =	sadd.s32 @!p0 $0x100000, s0  }
0xea: {  	[sflag:s0] =	ssyncadd.tile.s32 @!p0 $0x1;
	_ =	shalt  }
.Lfunc_end2:
_tile_overlayer_lowered:
.L_overlay_start_2:
0xeb: {  	(tag) =	ssettag $0x2  }
0xec: {  	s0 =	rddreg [dreg:$0x0];
	s2 =	stileid.u32  }
0xed: {  	s1 =	rddreg [dreg:$0x1];
	p0 =	sne.s32 s2, $0x0  }
0xee: {  	s3 =	rddreg [dreg:$0x2];
	[bflag:$0x3] =	sbarrier.arrive $0xFFFF;
	s2 =	simm.s32 @!p0 $0x1C03  }
0xef: {  	[timem:s3], [sflag:s2] =	dma.local @!p0 [hbm:s0], s1  }
0xf0: {  	s0 =	simm.s32 @!p0 $0x3  }
0xf1: {  	_ =	swait.ge @!p0 [sflag:s0], s1  }
0xf2: {  	s1 =	ssub.s32 @!p0 $0x0, s1;
	[sflag:s0] =	ssyncset.done @!p0 $0x0  }
0xf3: {  	[sflag:s0] =	ssyncadd.s32 @!p0 s1  }
0xf4: {  	[bflag:$0x3] =	sbarrier.arrive $0xFFFF  }
0xf5: {  	_ =	shalt  }

// kernel: sparse-core-data-format-call.cloned.1.call-start
scs
called_computation_lowered:
.L_overlay_start_0:
0x0: {  	s2 =	sld [smem:$0x3FD9]  }
0x1: {  	s3 =	sld [smem:$0x3FFE];
	_ =	sdelay $0x1  }
0x2: {  	s1 =	srdreg.scid  }
0x3: {  	s0 =	sand.u32 $0x1, s1  }
0x4: {  	s18 =	sshll.u32 s0, $0xA;
	s2 =	sadd.s32 s3, s2  }
0x5: {  	s2 =	sadd.s32 s2, s18  }
0x6: {  	[smem:$0x3FC6] =	sst s2  }
0x7: {  	_ = 	snop  }
0x8: {  	s2 =	sld [smem:$0x3FD0];
	(tm) =	ssettm $0x1  }
0x9: {  	s19 =	sld [smem:$0x3FFB];
	_ =	sdelay $0x3  }
0xa: {  	_ =	strace s19  }
0xb: {  	s3 =	sld [smem:$0x3FFC];
	_ =	sdelay $0x3  }
0xc: {  	_ =	strace s3  }
0xd: {  	s3 =	sld [smem:$0x3FFD];
	_ =	sdelay $0x3  }
0xe: {  	_ =	strace s3  }
0xf: {  	_ =	strace $0x8FFFFFFF  }
0x10: {  	s20 =	sld [smem:$0x3FDB];
	_ =	sdelay $0x1  }
0x11: {  	s4 =	simm.s32 $_scs_section_size  }
0x12: {  	s5 =	simm.s32 $_size__tile_overlayer_lowered;
	s6 =	simm.s32 $_tile_overlayer_lowered  }
0x13: {  	s23 =	simm.s32 $0x1BFF;
	s22 =	sshll.u32 s6, $0x1;
	s3 =	sadd.s32 s4, s20  }
0x14: {  	s7 =	simm.s32 $0x0;
	s21 =	sshll.u32 s5, $0x1;
	s5 =	sadd.s32 s22, s3  }
0x15: {  	[timem:s7], [sflag:s23] =	dma.local [hbm:s5], s21  }
0x16: {  	_ =	swait.ge [sflag:s23], s21  }
0x17: {  	s4 =	ssub.s32 $0x0, s21;
	[sflag:s23] =	ssyncset.done $0x0  }
0x18: {  	[sflag:s23] =	ssyncadd.s32 s4;
	_ =	sdelay $0x1  }
0x19: {  	s24 =	simm.s32 $0x1B8B  }
0x1a: {  	_ =	swait.ge [sflag:s24], $0x1  }
0x1b: {  	[sflag:s24] =	ssyncset.done $0x0  }
0x1c: {  	s26 =	simm.s32 $0x1B8E;
	s25 =	sld [smem:$0x3FFE];
	[sflag:s24] =	ssyncadd.s32 $0xFFFFFFFF  }
0x1d: {  	s27 =	simm.s32 $execute0_lowered;
	[smem:$0x3FD2] =	sst s26  }
0x1e: {  	s5 =	sshll.u32 s27, $0x1;
	_ =	strace $0x80000049;
	[dreg:$0x1] =	wrdreg $0xFFFFFFFF  }
0x1f: {  	s28 =	simm.s32 $_size_execute0_lowered;
	s3 =	sadd.s32 s3, s5;
	[dreg:$0x0] =	wrdreg $0x0  }
0x20: {  	s5 =	sshll.u32 s28, $0x1;
	[dreg:$0x2] =	wrdreg s3  }
0x21: {  	[dreg:$0x3] =	wrdreg s5  }
0x22: {  	[dreg:$0x4] =	wrdreg $0xC0  }
0x23: {  	_ =	task [dreg:s7], $0x5FFFF  }
0x24: {  	[dreg:$0x1] =	wrdreg $0xFFFFFFFF  }
0x25: {  	[dreg:$0x0] =	wrdreg $0x60  }
0x26: {  	[dreg:$0x2] =	wrdreg s25  }
0x27: {  	[dreg:$0x3] =	wrdreg s2  }
0x28: {  	[dreg:$0x4] =	wrdreg $0x9  }
0x29: {  	_ =	task.clear_ibuf [dreg:s7], $0x5FFFF;
	_ =	strace $0x90000049  }
0x2a: {  	s29 =	simm.s32 $0x9;
	_ =	strace $0x8000004B  }
0x2b: {  	_ =	swait.ge [sflag:s29], $0x1  }
0x2c: {  	[sflag:s29] =	ssyncadd.s32 $0xFFFFFFFF  }
0x2d: {  	_ =	strace $0x9000004B  }
0x2e: {  	_ =	sfence  }
0x2f: {  	s30 =	sld [smem:$0x0];
	_ =	sdelay $0x2  }
0x30: {  	s31 =	sshll.u32 s1, $0xD;
	s1 =	sshrl.u32 s1, $0x2  }
0x31: {  	s3 =	sand.u32 $0x4000, s31;
	s1 =	sadd.s32 s1, s30  }
0x32: {  	s0 =	sor.u32 s3, s0;
	s1 =	sshll.u32 s1, $0x11  }
0x33: {  	s0 =	sor.u32 s1, s0  }
0x34: {  	s0 =	sadd.s32 $0x8F2B, s0  }
0x35: {  	[sflag:s0] =	ssyncadd.remote.s32 $0x1  }
0x36: {  	_ =	sfence.sel $0xFFFF  }
0x37: {  	[dreg:$0x0] =	wrdreg $0xFFFFFFFF;
	(pc) =	sbr.abs _section_cstart, $3  }
0x38: {  	[dreg:$0x1] =	wrdreg $0xFFFFFFFF  }
0x39: {  	_ =	task.clear_ibuf [dreg:s7], $0x2FFFF;
	_ =	strace $0x9FFFFFFF  }
0x3a: {  	(tm) =	ssettm $0x7FFFFFFF  }
0x3b: {  	_ =	shalt  }
tec
execute0_lowered:
.L_overlay_start_1:
0x0: {  	(tag) =	ssettag $0x1  }
0x1: {  	s0 =	srdreg.scid  }
0x2: {  	s1 =	sshll.u32 s0, $0x4  }
0x3: {  	s0 =	stileid.u32;
	s1 =	sand.u32 $0x10, s1  }
0x4: {  	s1 =	sor.u32 s0, s1  }
0x5: {  	s6 =	rddreg [dreg:$0x0];
	s4 =	simm.s32 $0x1;
	s2 =	sshll.u32 s1, $0x7  }
0x6: {  	s7 =	simm.s32 $0x2;
	s12 =	simm.s32 $0x0;
	s1 =	ssub.s32 $0x1000, s2  }
0x7: {  	s8 =	simm.s32 $0x8000;
	s13 =	simm.s32 $0x0;
	s3 =	sand.u32 $0xF80, s1  }
0x8: {  	s9 =	simm.s32 $0x0;
	s5 =	sshrl.u32 s1, $0xC;
	p0 =	sne.s32 s3, $0x0  }
.Ltmp0:
0x9: {  	s1 =	rddreg [dreg:$0x2];
	s4 =	simm.s32 @!p0 $0x0;
	(pc) =	sbr.rel .LBB1_1-.Ltmp0, $4  }
0xa: {  	s11 =	simm.s32 $0x0;
	s3 =	rddreg [dreg:$0x1];
	s5 =	sadd.s32 s4, s5  }
0xb: {  	_ =	strace $0x8000004A;
	s4 =	simm.s32 $0x1;
	s5 =	smul.u32 $0xC8, s5  }
0xc: {  	s6 =	sadd.s32 $0xA00, s6;
	s10 =	smov.u32 s2;
	[sflag:s4] =	ssyncpa.u1 $0x0  }
0xd: {  	p0 =	por $0x0, $0x0;
	[sflag:s7] =	ssyncpa.u1 $0x0;
	s7 =	sor.u32 $0x1, s5  }
.LBB1_4:
0xe: {  	s16 =	sshll.u32 s13, $0x3;
	s17 =	sand.u32 $0x78, s13  }
0xf: {  	s30 =	sand.u32 $0x7E00, s13;
	s12 =	sshll.u32 s12, $0xF;
	s16 =	sand.u32 $0xC00, s16  }
0x10: {  	[tilespmem:s15+$0x810 ss:$0x81] =	vst.msk $0xffff, v2;
	s31 =	sand.u32 $0x7, s13;
	s16 =	sor.u32 s17, s16;
	s17 =	sadd.s32 s3, s30  }
0x11: {  	[tilespmem:s15+$0x1020 ss:$0x81] =	vst.msk $0xffff, v0;
	s13 =	sshll.u32 s31, $0x12;
	s12 =	sadd.s32 s12, s17;
	s16 =	sshrl.u32 s16, $0x3  }
0x12: {  	[tilespmem:s15+$0x0 ss:$0x81] =	vst.msk $0xffff, v1;
	s13 =	sor.u32 $0x400, s13;
	s12 =	sadd.s32 s16, s12  }
0x13: {  	[hbm4b:s12+s13] =	stream.strided.scatter [tilespmem:s14], [sflag:$0x2], $0x2000, s8, s13, $0x20;
	[tilespmem:$0x8080] =	vst v63  }
.LBB1_5:
0x14: {  	s14 =	sadd.s32 $0x1, s9  }
0x15: {  	s12 =	sadd.s32 $0x1000, s10;
	s16 =	smov.u32 s10;
	p2 =	sgt.s32 s14, $0xC7  }
0x16: {  	s16 =	smov.u32 @p2 s12  }
0x17: {  	s14 =	simm.s32 @p2 $0x0;
	p2 =	sgt.s32 s16, $0xFFF  }
0x18: {  	s16 =	smov.u32 @p2 s2;
	p2 =	sne.s32 s11, s7  }
.Ltmp1:
0x19: {  	p1 =	slt.u32 s11, $0x2;
	(pc) =	sbr.rel @!p2 .LBB1_6-.Ltmp1, $4  }
0x1a: {  	s15 =	simm.s32 @!p1 $0x2  }
0x1b: {  	s13 =	smov.u32 s10;
	p0 =	por !p0, !p0;
	_ =	swait.ge @!p1 [sflag:s15], $0x2000  }
0x1c: {  	s12 =	smov.u32 s9;
	[sflag:s15] =	ssyncset.done @!p1 $0x0;
	s9 =	smov.u32 s14  }
0x1d: {  	s11 =	sadd.s32 $0x1, s11;
	[sflag:s15] =	ssyncadd.s32 @!p1 $0xFFFFE000;
	s10 =	smov.u32 s16  }
.LBB1_1:
0x1e: {  	p1 =	sge.u32 s11, s5  }
0x1f: {  	s14 =	sand.u32 @!p1 $0x1FFFFFF, s9  }
0x20: {  	s15 =	smulhi.u32 @!p1 $0x147AE15, s14;
	_ =	sdelay $0x1  }
0x21: {  	s15 =	smul.u32 @!p1 $0xC8, s15  }
0x22: {  	s16 =	sxor.u32 @!p1 $0xFFFFFFFF, s11;
	s17 =	smul.u32 @!p1 $0xC80, s10  }
0x23: {  	s31 =	sadd.s32 $0xFFFFFFFF, s11;
	s16 =	sshll.u32 @!p1 s16, $0xD;
	s14 =	ssub.s32 @!p1 s14, s15  }
0x24: {  	s15 =	sand.u32 @!p1 $0x2000, s16;
	s16 =	sadd.s32 @!p1 s6, s17;
	s14 =	sshll.u32 @!p1 s14, $0x4  }
0x25: {  	s17 =	simm.s32 @!p1 $0x6400;
	s14 =	sadd.s32 @!p1 s14, s16;
	s16 =	simm.s32 @!p1 $0x40  }
0x26: {  	[tilespmem:s15], [sflag:$0x1] =	stream.strided.gather @!p1 [hbm4b:s14+s16], $0x2000, s17, s16, $0x38;
	[tilespmem:$0x8080] =	vst v63  }
0x27: {  	p1 =	sge.u32 s31, s5  }
.Ltmp2:
0x28: {  	_ = 	snop;
	(pc) =	sbr.rel @p1 .LBB1_5-.Ltmp2, $1  }
0x29: {  	_ =	sdelay $0x3  }
0x2a: {  	s14 =	simm.s32 $0x1  }
0x2b: {  	_ =	swait.ge [sflag:s4], $0x2000;
	s14 =	simm.s32 @!p0 $0x0  }
0x2c: {  	[sflag:s4] =	ssyncset.done $0x0;
	s15 =	sshll.u32 s14, $0xD  }
0x2d: {  	[sflag:s4] =	ssyncadd.s32 $0xFFFFE000;
	s18 =	sor.u32 $0x20, s15  }
0x2e: {  	s14 =	smul.u32 $0x8100, s14;
	v3 =	vld [tilespmem:s18+$0x10]  }
0x2f: {  	s30 =	sand.u32 $0x1, s11;
	v2 =	vld [tilespmem:s18+$0xFFFFFFF0]  }
0x30: {  	s15 =	smul.u32 $0x8100, s30;
	s14 =	sshrl.u32 s14, $0x2;
	v0 =	vld [tilespmem:s18+$0x0]  }
0x31: {  	v1 =	vld [tilespmem:s18+$0xFFFFFFE0];
	s16 =	sor.u32 $0x4000, s14  }
0x32: {  	s31 =	sshrl.u32 s15, $0x2;
	s15 =	sadd.s32 $0x0, s16  }
0x33: {  	s17 =	simm.s32 $0x4;
	s18 =	sadd.s32 $0x40, s18;
	s14 =	sor.u32 $0x4000, s31;
	[tilespmem:s15+$0x1830 ss:$0x81] =	vst.msk $0xffff, v3  }
.LBB1_3:
0x34: {  	v3 =	vld [tilespmem:s18+$0x10];
	p1 =	sne.s32 s17, $0x1FC;
	[tilespmem:s15+$0x810 ss:$0x81] =	vst.msk $0xffff, v2;
	s19 =	smov.u32 s17;
	s17 =	sadd.s32 $0x4, s17  }
.Ltmp3:
0x35: {  	v2 =	vld [tilespmem:s18+$0xFFFFFFF0];
	[tilespmem:s15+$0x1020 ss:$0x81] =	vst.msk $0xffff, v0;
	(pc) =	sbr.rel @p1 .LBB1_3-.Ltmp3, $4  }
0x36: {  	v0 =	vld [tilespmem:s18+$0x0];
	[tilespmem:s15+$0x0 ss:$0x81] =	vst.msk $0xffff, v1  }
0x37: {  	s15 =	sshra.s32 s19, $0x2;
	v1 =	vld [tilespmem:s18+$0xFFFFFFE0]  }
0x38: {  	s15 =	sadd.s32 s15, s16  }
0x39: {  	s18 =	sadd.s32 $0x40, s18;
	[tilespmem:s15+$0x1830 ss:$0x81] =	vst.msk $0xffff, v3  }
.Ltmp4:
0x3a: {  	_ = 	snop;
	(pc) =	sbr.rel .LBB1_4-.Ltmp4, $1  }
0x3b: {  	_ =	sdelay $0x3  }
.LBB1_6:
0x3c: {  	_ =	sfence.sel $0x180000  }
0x3d: {  	s2 =	simm.s32 $0x1;
	[bflag:$0x0] =	sbarrier.arrive $0xFFFF  }
0x3e: {  	s31 =	simm.s32 $0x2;
	[sflag:s2] =	ssyncpa.u1 $0x1  }
0x3f: {  	[sflag:s31] =	ssyncpa.u1 $0x1  }
0x40: {  	p0 =	sne.s32 s0, $0x0;
	_ =	strace $0x9000004A  }
0x41: {  	s0 =	sadd.s32 @!p0 $0x100000, s1;
	[bflag:$0x2] =	sbarrier.arrive $0xFFFF  }
0x42: {  	[sflag:s0] =	ssyncadd.tile.s32 @!p0 $0x1;
	_ =	shalt  }
.Lfunc_end1:
_tile_overlayer_lowered:
.L_overlay_start_2:
0x43: {  	(tag) =	ssettag $0x2  }
0x44: {  	s0 =	rddreg [dreg:$0x0];
	s2 =	stileid.u32  }
0x45: {  	s1 =	rddreg [dreg:$0x1];
	p0 =	sne.s32 s2, $0x0  }
0x46: {  	s3 =	rddreg [dreg:$0x2];
	[bflag:$0x3] =	sbarrier.arrive $0xFFFF;
	s2 =	simm.s32 @!p0 $0x1C01  }
0x47: {  	[timem:s3], [sflag:s2] =	dma.local @!p0 [hbm:s0], s1  }
0x48: {  	s0 =	simm.s32 @!p0 $0x1  }
0x49: {  	_ =	swait.ge @!p0 [sflag:s0], s1  }
0x4a: {  	s1 =	ssub.s32 @!p0 $0x0, s1;
	[sflag:s0] =	ssyncset.done @!p0 $0x0  }
0x4b: {  	[sflag:s0] =	ssyncadd.s32 @!p0 s1  }
0x4c: {  	[bflag:$0x3] =	sbarrier.arrive $0xFFFF  }
0x4d: {  	_ =	shalt  }

</sc_bundles>
